<compile_context>
chip_gen: v7x
topology: tpu7x:2x2x1
jax: 0.10.2.dev20260603
libtpu: 0.0.44.dev20260713+nightly
codegen_flags: <defaults>
</compile_context>

<pallas_src>
import functools

import jax
import jax.numpy as jnp
from jax import lax
from jax.experimental import pallas as pl
from jax.experimental.pallas import tpu as pltpu
from jax.experimental.pallas import tpu_sc as plsc

_NUM_CLASSES = 100000
_BATCH = 1024
_TINY = 1e-7

_NC = 1
_NS = 16
_L = 16
_NW = _NC * _NS
_BPW = _BATCH // _NW
_LN2 = 0.6931471805599453


def _logf(x):
    bits = lax.bitcast_convert_type(x, jnp.int32)
    e = (bits >> 23) - 127
    m = lax.bitcast_convert_type((bits & 0x7FFFFF) | (127 << 23), jnp.float32)
    t = (m - 1.0) / (m + 1.0)
    u = t * t
    p = 2.0 * t * (1.0 + u * (1.0 / 3.0 + u * (1.0 / 5.0 + u * (1.0 / 7.0 + u * (1.0 / 9.0)))))
    return e.astype(jnp.float32) * _LN2 + p


def _make_sc_loss():
    mesh = plsc.VectorSubcoreMesh(
        core_axis_name="c", subcore_axis_name="s", num_cores=_NC)

    @functools.partial(
        pl.kernel,
        mesh=mesh,
        out_type=jax.ShapeDtypeStruct((_L,), jnp.float32),
        scratch_types=[
            pltpu.VMEM((_BPW,), jnp.int32),
            pltpu.VMEM((_BPW, 128), jnp.float32),
            pltpu.VMEM((_L,), jnp.float32),
            pltpu.VMEM((_NW * _L,), jnp.float32),
            pltpu.VMEM_SHARED((_NW * _L,), jnp.float32),
            pltpu.SemaphoreType.DMA,
        ],
    )
    def k(y_hbm, logits_t_hbm, out_hbm, y_v, rows_v, acc_v, all_v, shared, sem):
        wid = lax.axis_index("s")
        base = pl.multiple_of(wid * _BPW, _BPW)
        colblk = (base // 128) * 128
        pltpu.sync_copy(y_hbm.at[pl.ds(base, _BPW)], y_v)
        lane = lax.iota(jnp.int32, _L)
        pltpu.async_copy(
            logits_t_hbm.at[y_v, pl.ds(colblk, 128)], rows_v, sem).wait()
        acc = jnp.zeros((_L,), jnp.float32)
        for c in range(_BPW // _L):
            s16 = (base - colblk) + c * _L
            res = jnp.zeros((_L,), jnp.float32)
            for j in range(_L):
                r = c * _L + j
                v16 = rows_v[r, pl.ds(s16, _L)]
                res = jnp.where(lane == j, v16[j], res)
            acc = acc + _logf(res + _TINY)
        acc_v[pl.ds(0, _L)] = acc
        pltpu.sync_copy(acc_v, shared.at[pl.ds(wid * _L, _L)])
        plsc.subcore_barrier()

        @pl.when(wid == 0)
        def _():
            pltpu.sync_copy(shared, all_v)
            tot = jnp.zeros((_L,), jnp.float32)
            for w in range(_NW):
                tot = tot + all_v[pl.ds(w * _L, _L)]
            total = tot[0]
            for l in range(1, _L):
                total = total + tot[l]
            acc_v[pl.ds(0, _L)] = jnp.where(
                lane >= 0, total, 0.0) * (-1.0 / _BATCH)
            pltpu.sync_copy(acc_v, out_hbm)

    return k


_sc_loss = _make_sc_loss()


def kernel(y, logits):
    return _sc_loss(y, logits.T)[0]

# --- scband reference (transcript-rebuilt; emitter-appended) ---
"""Pipeline reference for scband-discrete-uniform-32538672234516 (READ-ONLY COPY).

The authoritative reference and input builder live on the scoring server;
editing this copy changes nothing except your own understanding.
"""

import jax, jax.numpy as jnp
import numpy as np

NUM_CLASSES = 100000
BATCH = 1024

def setup_inputs(seed: int = 0) -> dict:
    key = jax.random.key(seed)
    k1, k2 = jax.random.split(key)
    # y: integer class targets in [0, NUM_CLASSES)
    y = jax.random.randint(k1, (BATCH,), 0, NUM_CLASSES, dtype=jnp.int64 if jax.config.read('jax_enable_x64') else jnp.int32)
    # logits are treated as (unnormalized) probabilities by the module's
    # cross_entropy_loss (onehot=False path): log is applied directly, so use
    # uniform [0,1) fill to keep values positive.
    logits = jax.random.uniform(k2, (BATCH, NUM_CLASSES), dtype=jnp.float32)
    return {"y": y, "logits": logits}

def reference(y, logits):
    # Faithful translation of DiscreteUniform.cross_entropy_loss with onehot=False:
    #   tiny = 1e-07
    #   log_probs = log(logits + tiny)
    #   log_prob_for_y = log_probs[range(N), y]
    #   return -mean(log_prob_for_y)
    tiny = 1e-07
    N = logits.shape[0]
    log_probs = jnp.log(logits + tiny)
    log_prob_for_y = log_probs[jnp.arange(N), y]
    return -jnp.mean(log_prob_for_y)

if __name__ == "__main__":
    import jax
    _d = setup_inputs()
    print(jax.jit(kernel)(*tuple(_d.values())))

</pallas_src>

<mosaic_0001>
#map = affine_map<(d0, d1) -> (0)>
#map1 = affine_map<(d0, d1) -> (0, 0)>
module attributes {stable_mosaic.version = 14 : i64} {
  func.func @k(%arg0: i32, %arg1: i32, %arg2: memref<1024xi32, #tpu.memory_space<hbm>>, %arg3: memref<100000x1024xf32, #tpu.memory_space<hbm>>, %arg4: memref<16xf32, #tpu.memory_space<hbm>>, %arg5: memref<64xi32, #tpu.memory_space<vmem>>, %arg6: memref<64x128xf32, #tpu.memory_space<vmem>>, %arg7: memref<16xf32, #tpu.memory_space<vmem>>, %arg8: memref<256xf32, #tpu.memory_space<vmem>>, %arg9: memref<256xf32, #tpu.memory_space<vmem_shared>>, %arg10: memref<!tpu.dma_semaphore, #tpu.memory_space<semaphore_mem>>) attributes {dimension_semantics = [#tpu.dimension_semantics<core_parallel>, #tpu.dimension_semantics<subcore_parallel>], iteration_bounds = array<i64: 1, 16>, scalar_prefetch = 0 : i64, scratch_operands = 6 : i64, tpu.core_type = #tpu.core_type<sc_vector_subcore>, window_params = [{transform_indices = #map}, {transform_indices = #map1}, {transform_indices = #map}]} {
    %mul3A = arith.constant 64 : i32
    %mul3A_0 = arith.muli %arg1, %mul3A : i32
    %multiple_of3A = tpu.assume_multiple %mul3A_0, 64 : i32
    %jit3A = arith.constant 128 : i32
    %div3A = arith.divsi %multiple_of3A, %jit3A : i32
    %sign3A = arith.constant 0 : i32
    %sign3A_1 = arith.cmpi sgt, %multiple_of3A, %sign3A : i32
    %sign3A_2 = arith.extui %sign3A_1 : i1 to i32
    %sign3A_3 = arith.constant 0 : i32
    %sign3A_4 = arith.cmpi slt, %multiple_of3A, %sign3A_3 : i32
    %sign3A_5 = arith.extui %sign3A_4 : i1 to i32
    %sign3A_6 = arith.subi %sign3A_2, %sign3A_5 : i32
    %sign3A_7 = arith.constant 0 : i32
    %sign3A_8 = arith.cmpi sgt, %jit3A, %sign3A_7 : i32
    %sign3A_9 = arith.extui %sign3A_8 : i1 to i32
    %sign3A_10 = arith.constant 0 : i32
    %sign3A_11 = arith.cmpi slt, %jit3A, %sign3A_10 : i32
    %sign3A_12 = arith.extui %sign3A_11 : i1 to i32
    %sign3A_13 = arith.subi %sign3A_9, %sign3A_12 : i32
    %ne3A = arith.cmpi ne, %sign3A_6, %sign3A_13 : i32
    %rem3A = arith.remsi %multiple_of3A, %jit3A : i32
    %ne3A_14 = arith.constant 0 : i32
    %ne3A_15 = arith.cmpi ne, %rem3A, %ne3A_14 : i32
    %and3A = arith.andi %ne3A, %ne3A_15 : i1
    %sub3A = arith.constant 1 : i32
    %sub3A_16 = arith.subi %div3A, %sub3A : i32
    %select_n3A = arith.select %and3A, %sub3A_16, %div3A : i32
    %mul3A_17 = arith.constant 128 : i32
    %mul3A_18 = arith.muli %select_n3A, %mul3A_17 : i32
    "tpu.region"() ({
      %run_scoped3A = tpu.sem_alloc : memref<!tpu.dma_semaphore, #tpu.memory_space<semaphore_mem>>
      %dma_start3A_1022 = tpu.memref_slice %arg2[%multiple_of3A] : memref<1024xi32, #tpu.memory_space<hbm>> -> memref<64xi32, #tpu.memory_space<hbm>>
      %dma_start3A_1023 = tpu.memref_slice %arg2[%multiple_of3A] : memref<1024xi32, #tpu.memory_space<hbm>> -> memref<64xi32, #tpu.memory_space<hbm>>
      tpu.enqueue_dma source(%dma_start3A_1023 : memref<64xi32, #tpu.memory_space<hbm>>) target(%arg5 : memref<64xi32, #tpu.memory_space<vmem>>) target_semaphore(%run_scoped3A : memref<!tpu.dma_semaphore, #tpu.memory_space<semaphore_mem>>)
      %dma_wait3A_1024 = tpu.memref_slice %arg2[%multiple_of3A] : memref<1024xi32, #tpu.memory_space<hbm>> -> memref<64xi32, #tpu.memory_space<hbm>>
      %dma_wait3A_1025 = tpu.memref_slice %arg2[%multiple_of3A] : memref<1024xi32, #tpu.memory_space<hbm>> -> memref<64xi32, #tpu.memory_space<hbm>>
      tpu.wait_dma2 semaphore(%run_scoped3A : memref<!tpu.dma_semaphore, #tpu.memory_space<semaphore_mem>>) src(%dma_wait3A_1025 : memref<64xi32, #tpu.memory_space<hbm>>) dst(%arg5 : memref<64xi32, #tpu.memory_space<vmem>>)
      tpu.yield
    }) : () -> ()
    %iota3A = tpu.iota {dimensions = array<i32: 0>} : vector<16xi32>
    %dma_start3A = arith.constant 0 : i32
    %dma_start3A_19 = tpu.memref_slice %arg3[%dma_start3A, %mul3A_18] : memref<100000x1024xf32, #tpu.memory_space<hbm>> -> memref<100000x128xf32, #tpu.memory_space<hbm>>
    tpu.enqueue_indirect_dma source(%dma_start3A_19 : memref<100000x128xf32, #tpu.memory_space<hbm>>) target(%arg6 : memref<64x128xf32, #tpu.memory_space<vmem>>) offsets(%arg5 : memref<64xi32, #tpu.memory_space<vmem>>) semaphore(%arg10 : memref<!tpu.dma_semaphore, #tpu.memory_space<semaphore_mem>>)
    %dma_wait3A = arith.constant 0 : i32
    %dma_wait3A_20 = tpu.memref_slice %arg3[%dma_wait3A, %mul3A_18] : memref<100000x1024xf32, #tpu.memory_space<hbm>> -> memref<100000x128xf32, #tpu.memory_space<hbm>>
    tpu.wait_indirect_dma semaphore(%arg10 : memref<!tpu.dma_semaphore, #tpu.memory_space<semaphore_mem>>) src(%dma_wait3A_20 : memref<100000x128xf32, #tpu.memory_space<hbm>>) dst(%arg6 : memref<64x128xf32, #tpu.memory_space<vmem>>)
    %broadcast_in_dim3A = arith.constant 0.000000e+00 : f32
    %broadcast_in_dim3A_21 = vector.broadcast %broadcast_in_dim3A : f32 to vector<16xf32>
    %sub3A_22 = arith.subi %multiple_of3A, %mul3A_18 : i32
    %add3A = arith.constant 0 : i32
    %add3A_23 = arith.addi %sub3A_22, %add3A : i32
    %broadcast_in_dim3A_24 = arith.constant 0.000000e+00 : f32
    %broadcast_in_dim3A_25 = vector.broadcast %broadcast_in_dim3A_24 : f32 to vector<16xf32>
    %get3A = arith.constant 0 : i32
    %get3A_26 = arith.index_cast %get3A : i32 to index
    %get3A_27 = arith.index_cast %add3A_23 : i32 to index
    %get3A_28 = tpu.vector_load %arg6[%get3A_26, %get3A_27] {strides = array<i32>} : memref<64x128xf32, #tpu.memory_space<vmem>>, vector<1x16xf32>,
    %get3A_29 = vector.shape_cast %get3A_28 : vector<1x16xf32> to vector<16xf32>
    %eq3A = arith.constant 0 : i32
    %eq3A_30 = vector.broadcast %eq3A : i32 to vector<16xi32>
    %eq3A_31 = arith.cmpi eq, %iota3A, %eq3A_30 : vector<16xi32>
    %slice3A = vector.extract_strided_slice %get3A_29 {offsets = [0], sizes = [1], strides = [1]} : vector<16xf32> to vector<1xf32>
    %squeeze3A = vector.extract %slice3A[0] : f32 from vector<1xf32>
    %broadcast_in_dim3A_32 = vector.broadcast %squeeze3A : f32 to vector<16xf32>
    %select_n3A_33 = arith.select %eq3A_31, %broadcast_in_dim3A_32, %broadcast_in_dim3A_25 : vector<16xi1>, vector<16xf32>
    %get3A_34 = arith.constant 1 : i32
    %get3A_35 = arith.index_cast %get3A_34 : i32 to index
    %get3A_36 = arith.index_cast %add3A_23 : i32 to index
    %get3A_37 = tpu.vector_load %arg6[%get3A_35, %get3A_36] {strides = array<i32>} : memref<64x128xf32, #tpu.memory_space<vmem>>, vector<1x16xf32>,
    %get3A_38 = vector.shape_cast %get3A_37 : vector<1x16xf32> to vector<16xf32>
    %eq3A_39 = arith.constant 1 : i32
    %eq3A_40 = vector.broadcast %eq3A_39 : i32 to vector<16xi32>
    %eq3A_41 = arith.cmpi eq, %iota3A, %eq3A_40 : vector<16xi32>
    %slice3A_42 = vector.extract_strided_slice %get3A_38 {offsets = [1], sizes = [1], strides = [1]} : vector<16xf32> to vector<1xf32>
    %squeeze3A_43 = vector.extract %slice3A_42[0] : f32 from vector<1xf32>
    %broadcast_in_dim3A_44 = vector.broadcast %squeeze3A_43 : f32 to vector<16xf32>
    %select_n3A_45 = arith.select %eq3A_41, %broadcast_in_dim3A_44, %select_n3A_33 : vector<16xi1>, vector<16xf32>
    %get3A_46 = arith.constant 2 : i32
    %get3A_47 = arith.index_cast %get3A_46 : i32 to index
    %get3A_48 = arith.index_cast %add3A_23 : i32 to index
    %get3A_49 = tpu.vector_load %arg6[%get3A_47, %get3A_48] {strides = array<i32>} : memref<64x128xf32, #tpu.memory_space<vmem>>, vector<1x16xf32>,
    %get3A_50 = vector.shape_cast %get3A_49 : vector<1x16xf32> to vector<16xf32>
    %eq3A_51 = arith.constant 2 : i32
    %eq3A_52 = vector.broadcast %eq3A_51 : i32 to vector<16xi32>
    %eq3A_53 = arith.cmpi eq, %iota3A, %eq3A_52 : vector<16xi32>
    %slice3A_54 = vector.extract_strided_slice %get3A_50 {offsets = [2], sizes = [1], strides = [1]} : vector<16xf32> to vector<1xf32>
    %squeeze3A_55 = vector.extract %slice3A_54[0] : f32 from vector<1xf32>
    %broadcast_in_dim3A_56 = vector.broadcast %squeeze3A_55 : f32 to vector<16xf32>
    %select_n3A_57 = arith.select %eq3A_53, %broadcast_in_dim3A_56, %select_n3A_45 : vector<16xi1>, vector<16xf32>
    %get3A_58 = arith.constant 3 : i32
    %get3A_59 = arith.index_cast %get3A_58 : i32 to index
    %get3A_60 = arith.index_cast %add3A_23 : i32 to index
    %get3A_61 = tpu.vector_load %arg6[%get3A_59, %get3A_60] {strides = array<i32>} : memref<64x128xf32, #tpu.memory_space<vmem>>, vector<1x16xf32>,
    %get3A_62 = vector.shape_cast %get3A_61 : vector<1x16xf32> to vector<16xf32>
    %eq3A_63 = arith.constant 3 : i32
    %eq3A_64 = vector.broadcast %eq3A_63 : i32 to vector<16xi32>
    %eq3A_65 = arith.cmpi eq, %iota3A, %eq3A_64 : vector<16xi32>
    %slice3A_66 = vector.extract_strided_slice %get3A_62 {offsets = [3], sizes = [1], strides = [1]} : vector<16xf32> to vector<1xf32>
    %squeeze3A_67 = vector.extract %slice3A_66[0] : f32 from vector<1xf32>
    %broadcast_in_dim3A_68 = vector.broadcast %squeeze3A_67 : f32 to vector<16xf32>
    %select_n3A_69 = arith.select %eq3A_65, %broadcast_in_dim3A_68, %select_n3A_57 : vector<16xi1>, vector<16xf32>
    %get3A_70 = arith.constant 4 : i32
    %get3A_71 = arith.index_cast %get3A_70 : i32 to index
    %get3A_72 = arith.index_cast %add3A_23 : i32 to index
    %get3A_73 = tpu.vector_load %arg6[%get3A_71, %get3A_72] {strides = array<i32>} : memref<64x128xf32, #tpu.memory_space<vmem>>, vector<1x16xf32>,
    %get3A_74 = vector.shape_cast %get3A_73 : vector<1x16xf32> to vector<16xf32>
    %eq3A_75 = arith.constant 4 : i32
    %eq3A_76 = vector.broadcast %eq3A_75 : i32 to vector<16xi32>
    %eq3A_77 = arith.cmpi eq, %iota3A, %eq3A_76 : vector<16xi32>
    %slice3A_78 = vector.extract_strided_slice %get3A_74 {offsets = [4], sizes = [1], strides = [1]} : vector<16xf32> to vector<1xf32>
    %squeeze3A_79 = vector.extract %slice3A_78[0] : f32 from vector<1xf32>
    %broadcast_in_dim3A_80 = vector.broadcast %squeeze3A_79 : f32 to vector<16xf32>
    %select_n3A_81 = arith.select %eq3A_77, %broadcast_in_dim3A_80, %select_n3A_69 : vector<16xi1>, vector<16xf32>
    %get3A_82 = arith.constant 5 : i32
    %get3A_83 = arith.index_cast %get3A_82 : i32 to index
    %get3A_84 = arith.index_cast %add3A_23 : i32 to index
    %get3A_85 = tpu.vector_load %arg6[%get3A_83, %get3A_84] {strides = array<i32>} : memref<64x128xf32, #tpu.memory_space<vmem>>, vector<1x16xf32>,
    %get3A_86 = vector.shape_cast %get3A_85 : vector<1x16xf32> to vector<16xf32>
    %eq3A_87 = arith.constant 5 : i32
    %eq3A_88 = vector.broadcast %eq3A_87 : i32 to vector<16xi32>
    %eq3A_89 = arith.cmpi eq, %iota3A, %eq3A_88 : vector<16xi32>
    %slice3A_90 = vector.extract_strided_slice %get3A_86 {offsets = [5], sizes = [1], strides = [1]} : vector<16xf32> to vector<1xf32>
    %squeeze3A_91 = vector.extract %slice3A_90[0] : f32 from vector<1xf32>
    %broadcast_in_dim3A_92 = vector.broadcast %squeeze3A_91 : f32 to vector<16xf32>
    %select_n3A_93 = arith.select %eq3A_89, %broadcast_in_dim3A_92, %select_n3A_81 : vector<16xi1>, vector<16xf32>
    %get3A_94 = arith.constant 6 : i32
    %get3A_95 = arith.index_cast %get3A_94 : i32 to index
    %get3A_96 = arith.index_cast %add3A_23 : i32 to index
    %get3A_97 = tpu.vector_load %arg6[%get3A_95, %get3A_96] {strides = array<i32>} : memref<64x128xf32, #tpu.memory_space<vmem>>, vector<1x16xf32>,
    %get3A_98 = vector.shape_cast %get3A_97 : vector<1x16xf32> to vector<16xf32>
    %eq3A_99 = arith.constant 6 : i32
    %eq3A_100 = vector.broadcast %eq3A_99 : i32 to vector<16xi32>
    %eq3A_101 = arith.cmpi eq, %iota3A, %eq3A_100 : vector<16xi32>
    %slice3A_102 = vector.extract_strided_slice %get3A_98 {offsets = [6], sizes = [1], strides = [1]} : vector<16xf32> to vector<1xf32>
    %squeeze3A_103 = vector.extract %slice3A_102[0] : f32 from vector<1xf32>
    %broadcast_in_dim3A_104 = vector.broadcast %squeeze3A_103 : f32 to vector<16xf32>
    %select_n3A_105 = arith.select %eq3A_101, %broadcast_in_dim3A_104, %select_n3A_93 : vector<16xi1>, vector<16xf32>
    %get3A_106 = arith.constant 7 : i32
    %get3A_107 = arith.index_cast %get3A_106 : i32 to index
    %get3A_108 = arith.index_cast %add3A_23 : i32 to index
    %get3A_109 = tpu.vector_load %arg6[%get3A_107, %get3A_108] {strides = array<i32>} : memref<64x128xf32, #tpu.memory_space<vmem>>, vector<1x16xf32>,
    %get3A_110 = vector.shape_cast %get3A_109 : vector<1x16xf32> to vector<16xf32>
    %eq3A_111 = arith.constant 7 : i32
    %eq3A_112 = vector.broadcast %eq3A_111 : i32 to vector<16xi32>
    %eq3A_113 = arith.cmpi eq, %iota3A, %eq3A_112 : vector<16xi32>
    %slice3A_114 = vector.extract_strided_slice %get3A_110 {offsets = [7], sizes = [1], strides = [1]} : vector<16xf32> to vector<1xf32>
    %squeeze3A_115 = vector.extract %slice3A_114[0] : f32 from vector<1xf32>
    %broadcast_in_dim3A_116 = vector.broadcast %squeeze3A_115 : f32 to vector<16xf32>
    %select_n3A_117 = arith.select %eq3A_113, %broadcast_in_dim3A_116, %select_n3A_105 : vector<16xi1>, vector<16xf32>
    %get3A_118 = arith.constant 8 : i32
    %get3A_119 = arith.index_cast %get3A_118 : i32 to index
    %get3A_120 = arith.index_cast %add3A_23 : i32 to index
    %get3A_121 = tpu.vector_load %arg6[%get3A_119, %get3A_120] {strides = array<i32>} : memref<64x128xf32, #tpu.memory_space<vmem>>, vector<1x16xf32>,
    %get3A_122 = vector.shape_cast %get3A_121 : vector<1x16xf32> to vector<16xf32>
    %eq3A_123 = arith.constant 8 : i32
    %eq3A_124 = vector.broadcast %eq3A_123 : i32 to vector<16xi32>
    %eq3A_125 = arith.cmpi eq, %iota3A, %eq3A_124 : vector<16xi32>
    %slice3A_126 = vector.extract_strided_slice %get3A_122 {offsets = [8], sizes = [1], strides = [1]} : vector<16xf32> to vector<1xf32>
    %squeeze3A_127 = vector.extract %slice3A_126[0] : f32 from vector<1xf32>
    %broadcast_in_dim3A_128 = vector.broadcast %squeeze3A_127 : f32 to vector<16xf32>
    %select_n3A_129 = arith.select %eq3A_125, %broadcast_in_dim3A_128, %select_n3A_117 : vector<16xi1>, vector<16xf32>
    %get3A_130 = arith.constant 9 : i32
    %get3A_131 = arith.index_cast %get3A_130 : i32 to index
    %get3A_132 = arith.index_cast %add3A_23 : i32 to index
    %get3A_133 = tpu.vector_load %arg6[%get3A_131, %get3A_132] {strides = array<i32>} : memref<64x128xf32, #tpu.memory_space<vmem>>, vector<1x16xf32>,
    %get3A_134 = vector.shape_cast %get3A_133 : vector<1x16xf32> to vector<16xf32>
    %eq3A_135 = arith.constant 9 : i32
    %eq3A_136 = vector.broadcast %eq3A_135 : i32 to vector<16xi32>
    %eq3A_137 = arith.cmpi eq, %iota3A, %eq3A_136 : vector<16xi32>
    %slice3A_138 = vector.extract_strided_slice %get3A_134 {offsets = [9], sizes = [1], strides = [1]} : vector<16xf32> to vector<1xf32>
    %squeeze3A_139 = vector.extract %slice3A_138[0] : f32 from vector<1xf32>
    %broadcast_in_dim3A_140 = vector.broadcast %squeeze3A_139 : f32 to vector<16xf32>
    %select_n3A_141 = arith.select %eq3A_137, %broadcast_in_dim3A_140, %select_n3A_129 : vector<16xi1>, vector<16xf32>
    %get3A_142 = arith.constant 10 : i32
    %get3A_143 = arith.index_cast %get3A_142 : i32 to index
    %get3A_144 = arith.index_cast %add3A_23 : i32 to index
    %get3A_145 = tpu.vector_load %arg6[%get3A_143, %get3A_144] {strides = array<i32>} : memref<64x128xf32, #tpu.memory_space<vmem>>, vector<1x16xf32>,
    %get3A_146 = vector.shape_cast %get3A_145 : vector<1x16xf32> to vector<16xf32>
    %eq3A_147 = arith.constant 10 : i32
    %eq3A_148 = vector.broadcast %eq3A_147 : i32 to vector<16xi32>
    %eq3A_149 = arith.cmpi eq, %iota3A, %eq3A_148 : vector<16xi32>
    %slice3A_150 = vector.extract_strided_slice %get3A_146 {offsets = [10], sizes = [1], strides = [1]} : vector<16xf32> to vector<1xf32>
    %squeeze3A_151 = vector.extract %slice3A_150[0] : f32 from vector<1xf32>
    %broadcast_in_dim3A_152 = vector.broadcast %squeeze3A_151 : f32 to vector<16xf32>
    %select_n3A_153 = arith.select %eq3A_149, %broadcast_in_dim3A_152, %select_n3A_141 : vector<16xi1>, vector<16xf32>
    %get3A_154 = arith.constant 11 : i32
    %get3A_155 = arith.index_cast %get3A_154 : i32 to index
    %get3A_156 = arith.index_cast %add3A_23 : i32 to index
    %get3A_157 = tpu.vector_load %arg6[%get3A_155, %get3A_156] {strides = array<i32>} : memref<64x128xf32, #tpu.memory_space<vmem>>, vector<1x16xf32>,
    %get3A_158 = vector.shape_cast %get3A_157 : vector<1x16xf32> to vector<16xf32>
    %eq3A_159 = arith.constant 11 : i32
    %eq3A_160 = vector.broadcast %eq3A_159 : i32 to vector<16xi32>
    %eq3A_161 = arith.cmpi eq, %iota3A, %eq3A_160 : vector<16xi32>
    %slice3A_162 = vector.extract_strided_slice %get3A_158 {offsets = [11], sizes = [1], strides = [1]} : vector<16xf32> to vector<1xf32>
    %squeeze3A_163 = vector.extract %slice3A_162[0] : f32 from vector<1xf32>
    %broadcast_in_dim3A_164 = vector.broadcast %squeeze3A_163 : f32 to vector<16xf32>
    %select_n3A_165 = arith.select %eq3A_161, %broadcast_in_dim3A_164, %select_n3A_153 : vector<16xi1>, vector<16xf32>
    %get3A_166 = arith.constant 12 : i32
    %get3A_167 = arith.index_cast %get3A_166 : i32 to index
    %get3A_168 = arith.index_cast %add3A_23 : i32 to index
    %get3A_169 = tpu.vector_load %arg6[%get3A_167, %get3A_168] {strides = array<i32>} : memref<64x128xf32, #tpu.memory_space<vmem>>, vector<1x16xf32>,
    %get3A_170 = vector.shape_cast %get3A_169 : vector<1x16xf32> to vector<16xf32>
    %eq3A_171 = arith.constant 12 : i32
    %eq3A_172 = vector.broadcast %eq3A_171 : i32 to vector<16xi32>
    %eq3A_173 = arith.cmpi eq, %iota3A, %eq3A_172 : vector<16xi32>
    %slice3A_174 = vector.extract_strided_slice %get3A_170 {offsets = [12], sizes = [1], strides = [1]} : vector<16xf32> to vector<1xf32>
    %squeeze3A_175 = vector.extract %slice3A_174[0] : f32 from vector<1xf32>
    %broadcast_in_dim3A_176 = vector.broadcast %squeeze3A_175 : f32 to vector<16xf32>
    %select_n3A_177 = arith.select %eq3A_173, %broadcast_in_dim3A_176, %select_n3A_165 : vector<16xi1>, vector<16xf32>
    %get3A_178 = arith.constant 13 : i32
    %get3A_179 = arith.index_cast %get3A_178 : i32 to index
    %get3A_180 = arith.index_cast %add3A_23 : i32 to index
    %get3A_181 = tpu.vector_load %arg6[%get3A_179, %get3A_180] {strides = array<i32>} : memref<64x128xf32, #tpu.memory_space<vmem>>, vector<1x16xf32>,
    %get3A_182 = vector.shape_cast %get3A_181 : vector<1x16xf32> to vector<16xf32>
    %eq3A_183 = arith.constant 13 : i32
    %eq3A_184 = vector.broadcast %eq3A_183 : i32 to vector<16xi32>
    %eq3A_185 = arith.cmpi eq, %iota3A, %eq3A_184 : vector<16xi32>
    %slice3A_186 = vector.extract_strided_slice %get3A_182 {offsets = [13], sizes = [1], strides = [1]} : vector<16xf32> to vector<1xf32>
    %squeeze3A_187 = vector.extract %slice3A_186[0] : f32 from vector<1xf32>
    %broadcast_in_dim3A_188 = vector.broadcast %squeeze3A_187 : f32 to vector<16xf32>
    %select_n3A_189 = arith.select %eq3A_185, %broadcast_in_dim3A_188, %select_n3A_177 : vector<16xi1>, vector<16xf32>
    %get3A_190 = arith.constant 14 : i32
    %get3A_191 = arith.index_cast %get3A_190 : i32 to index
    %get3A_192 = arith.index_cast %add3A_23 : i32 to index
    %get3A_193 = tpu.vector_load %arg6[%get3A_191, %get3A_192] {strides = array<i32>} : memref<64x128xf32, #tpu.memory_space<vmem>>, vector<1x16xf32>,
    %get3A_194 = vector.shape_cast %get3A_193 : vector<1x16xf32> to vector<16xf32>
    %eq3A_195 = arith.constant 14 : i32
    %eq3A_196 = vector.broadcast %eq3A_195 : i32 to vector<16xi32>
    %eq3A_197 = arith.cmpi eq, %iota3A, %eq3A_196 : vector<16xi32>
    %slice3A_198 = vector.extract_strided_slice %get3A_194 {offsets = [14], sizes = [1], strides = [1]} : vector<16xf32> to vector<1xf32>
    %squeeze3A_199 = vector.extract %slice3A_198[0] : f32 from vector<1xf32>
    %broadcast_in_dim3A_200 = vector.broadcast %squeeze3A_199 : f32 to vector<16xf32>
    %select_n3A_201 = arith.select %eq3A_197, %broadcast_in_dim3A_200, %select_n3A_189 : vector<16xi1>, vector<16xf32>
    %get3A_202 = arith.constant 15 : i32
    %get3A_203 = arith.index_cast %get3A_202 : i32 to index
    %get3A_204 = arith.index_cast %add3A_23 : i32 to index
    %get3A_205 = tpu.vector_load %arg6[%get3A_203, %get3A_204] {strides = array<i32>} : memref<64x128xf32, #tpu.memory_space<vmem>>, vector<1x16xf32>,
    %get3A_206 = vector.shape_cast %get3A_205 : vector<1x16xf32> to vector<16xf32>
    %eq3A_207 = arith.constant 15 : i32
    %eq3A_208 = vector.broadcast %eq3A_207 : i32 to vector<16xi32>
    %eq3A_209 = arith.cmpi eq, %iota3A, %eq3A_208 : vector<16xi32>
    %slice3A_210 = vector.extract_strided_slice %get3A_206 {offsets = [15], sizes = [1], strides = [1]} : vector<16xf32> to vector<1xf32>
    %squeeze3A_211 = vector.extract %slice3A_210[0] : f32 from vector<1xf32>
    %broadcast_in_dim3A_212 = vector.broadcast %squeeze3A_211 : f32 to vector<16xf32>
    %select_n3A_213 = arith.select %eq3A_209, %broadcast_in_dim3A_212, %select_n3A_201 : vector<16xi1>, vector<16xf32>
    %add3A_214 = arith.constant 1.000000e-07 : f32
    %add3A_215 = vector.broadcast %add3A_214 : f32 to vector<16xf32>
    %add3A_216 = arith.addf %select_n3A_213, %add3A_215 : vector<16xf32>
    %bitcast_convert_type3A = tpu.bitcast %add3A_216 : vector<16xf32> -> vector<16xi32>
    %shift_right_arithmetic3A = arith.constant 23 : i32
    %shift_right_arithmetic3A_217 = vector.broadcast %shift_right_arithmetic3A : i32 to vector<16xi32>
    %shift_right_arithmetic3A_218 = arith.shrsi %bitcast_convert_type3A, %shift_right_arithmetic3A_217 : vector<16xi32>
    %sub3A_219 = arith.constant 127 : i32
    %sub3A_220 = vector.broadcast %sub3A_219 : i32 to vector<16xi32>
    %sub3A_221 = arith.subi %shift_right_arithmetic3A_218, %sub3A_220 : vector<16xi32>
    %and3A_222 = arith.constant 8388607 : i32
    %and3A_223 = vector.broadcast %and3A_222 : i32 to vector<16xi32>
    %and3A_224 = arith.andi %bitcast_convert_type3A, %and3A_223 : vector<16xi32>
    %or3A = arith.constant 1065353216 : i32
    %or3A_225 = vector.broadcast %or3A : i32 to vector<16xi32>
    %or3A_226 = arith.ori %and3A_224, %or3A_225 : vector<16xi32>
    %bitcast_convert_type3A_227 = tpu.bitcast %or3A_226 : vector<16xi32> -> vector<16xf32>
    %sub3A_228 = arith.constant 1.000000e+00 : f32
    %sub3A_229 = vector.broadcast %sub3A_228 : f32 to vector<16xf32>
    %sub3A_230 = arith.subf %bitcast_convert_type3A_227, %sub3A_229 : vector<16xf32>
    %add3A_231 = arith.constant 1.000000e+00 : f32
    %add3A_232 = vector.broadcast %add3A_231 : f32 to vector<16xf32>
    %add3A_233 = arith.addf %bitcast_convert_type3A_227, %add3A_232 : vector<16xf32>
    %div3A_234 = arith.divf %sub3A_230, %add3A_233 : vector<16xf32>
    %mul3A_235 = arith.mulf %div3A_234, %div3A_234 : vector<16xf32>
    %mul3A_236 = arith.constant 2.000000e+00 : f32
    %mul3A_237 = vector.broadcast %mul3A_236 : f32 to vector<16xf32>
    %mul3A_238 = arith.mulf %mul3A_237, %div3A_234 : vector<16xf32>
    %mul3A_239 = arith.constant 0.111111112 : f32
    %mul3A_240 = vector.broadcast %mul3A_239 : f32 to vector<16xf32>
    %mul3A_241 = arith.mulf %mul3A_235, %mul3A_240 : vector<16xf32>
    %add3A_242 = arith.constant 0.142857149 : f32
    %add3A_243 = vector.broadcast %add3A_242 : f32 to vector<16xf32>
    %add3A_244 = arith.addf %add3A_243, %mul3A_241 : vector<16xf32>
    %mul3A_245 = arith.mulf %mul3A_235, %add3A_244 : vector<16xf32>
    %add3A_246 = arith.constant 2.000000e-01 : f32
    %add3A_247 = vector.broadcast %add3A_246 : f32 to vector<16xf32>
    %add3A_248 = arith.addf %add3A_247, %mul3A_245 : vector<16xf32>
    %mul3A_249 = arith.mulf %mul3A_235, %add3A_248 : vector<16xf32>
    %add3A_250 = arith.constant 0.333333343 : f32
    %add3A_251 = vector.broadcast %add3A_250 : f32 to vector<16xf32>
    %add3A_252 = arith.addf %add3A_251, %mul3A_249 : vector<16xf32>
    %mul3A_253 = arith.mulf %mul3A_235, %add3A_252 : vector<16xf32>
    %add3A_254 = arith.constant 1.000000e+00 : f32
    %add3A_255 = vector.broadcast %add3A_254 : f32 to vector<16xf32>
    %add3A_256 = arith.addf %add3A_255, %mul3A_253 : vector<16xf32>
    %mul3A_257 = arith.mulf %mul3A_238, %add3A_256 : vector<16xf32>
    %convert_element_type3A = arith.sitofp %sub3A_221 : vector<16xi32> to vector<16xf32>
    %mul3A_258 = arith.constant 0.693147182 : f32
    %mul3A_259 = vector.broadcast %mul3A_258 : f32 to vector<16xf32>
    %mul3A_260 = arith.mulf %convert_element_type3A, %mul3A_259 : vector<16xf32>
    %add3A_261 = arith.addf %mul3A_260, %mul3A_257 : vector<16xf32>
    %add3A_262 = arith.addf %broadcast_in_dim3A_21, %add3A_261 : vector<16xf32>
    %sub3A_263 = arith.subi %multiple_of3A, %mul3A_18 : i32
    %add3A_264 = arith.constant 16 : i32
    %add3A_265 = arith.addi %sub3A_263, %add3A_264 : i32
    %broadcast_in_dim3A_266 = arith.constant 0.000000e+00 : f32
    %broadcast_in_dim3A_267 = vector.broadcast %broadcast_in_dim3A_266 : f32 to vector<16xf32>
    %get3A_268 = arith.constant 16 : i32
    %get3A_269 = arith.index_cast %get3A_268 : i32 to index
    %get3A_270 = arith.index_cast %add3A_265 : i32 to index
    %get3A_271 = tpu.vector_load %arg6[%get3A_269, %get3A_270] {strides = array<i32>} : memref<64x128xf32, #tpu.memory_space<vmem>>, vector<1x16xf32>,
    %get3A_272 = vector.shape_cast %get3A_271 : vector<1x16xf32> to vector<16xf32>
    %eq3A_273 = arith.constant 0 : i32
    %eq3A_274 = vector.broadcast %eq3A_273 : i32 to vector<16xi32>
    %eq3A_275 = arith.cmpi eq, %iota3A, %eq3A_274 : vector<16xi32>
    %slice3A_276 = vector.extract_strided_slice %get3A_272 {offsets = [0], sizes = [1], strides = [1]} : vector<16xf32> to vector<1xf32>
    %squeeze3A_277 = vector.extract %slice3A_276[0] : f32 from vector<1xf32>
    %broadcast_in_dim3A_278 = vector.broadcast %squeeze3A_277 : f32 to vector<16xf32>
    %select_n3A_279 = arith.select %eq3A_275, %broadcast_in_dim3A_278, %broadcast_in_dim3A_267 : vector<16xi1>, vector<16xf32>
    %get3A_280 = arith.constant 17 : i32
    %get3A_281 = arith.index_cast %get3A_280 : i32 to index
    %get3A_282 = arith.index_cast %add3A_265 : i32 to index
    %get3A_283 = tpu.vector_load %arg6[%get3A_281, %get3A_282] {strides = array<i32>} : memref<64x128xf32, #tpu.memory_space<vmem>>, vector<1x16xf32>,
    %get3A_284 = vector.shape_cast %get3A_283 : vector<1x16xf32> to vector<16xf32>
    %eq3A_285 = arith.constant 1 : i32
    %eq3A_286 = vector.broadcast %eq3A_285 : i32 to vector<16xi32>
    %eq3A_287 = arith.cmpi eq, %iota3A, %eq3A_286 : vector<16xi32>
    %slice3A_288 = vector.extract_strided_slice %get3A_284 {offsets = [1], sizes = [1], strides = [1]} : vector<16xf32> to vector<1xf32>
    %squeeze3A_289 = vector.extract %slice3A_288[0] : f32 from vector<1xf32>
    %broadcast_in_dim3A_290 = vector.broadcast %squeeze3A_289 : f32 to vector<16xf32>
    %select_n3A_291 = arith.select %eq3A_287, %broadcast_in_dim3A_290, %select_n3A_279 : vector<16xi1>, vector<16xf32>
    %get3A_292 = arith.constant 18 : i32
    %get3A_293 = arith.index_cast %get3A_292 : i32 to index
    %get3A_294 = arith.index_cast %add3A_265 : i32 to index
    %get3A_295 = tpu.vector_load %arg6[%get3A_293, %get3A_294] {strides = array<i32>} : memref<64x128xf32, #tpu.memory_space<vmem>>, vector<1x16xf32>,
    %get3A_296 = vector.shape_cast %get3A_295 : vector<1x16xf32> to vector<16xf32>
    %eq3A_297 = arith.constant 2 : i32
    %eq3A_298 = vector.broadcast %eq3A_297 : i32 to vector<16xi32>
    %eq3A_299 = arith.cmpi eq, %iota3A, %eq3A_298 : vector<16xi32>
    %slice3A_300 = vector.extract_strided_slice %get3A_296 {offsets = [2], sizes = [1], strides = [1]} : vector<16xf32> to vector<1xf32>
    %squeeze3A_301 = vector.extract %slice3A_300[0] : f32 from vector<1xf32>
    %broadcast_in_dim3A_302 = vector.broadcast %squeeze3A_301 : f32 to vector<16xf32>
    %select_n3A_303 = arith.select %eq3A_299, %broadcast_in_dim3A_302, %select_n3A_291 : vector<16xi1>, vector<16xf32>
    %get3A_304 = arith.constant 19 : i32
    %get3A_305 = arith.index_cast %get3A_304 : i32 to index
    %get3A_306 = arith.index_cast %add3A_265 : i32 to index
    %get3A_307 = tpu.vector_load %arg6[%get3A_305, %get3A_306] {strides = array<i32>} : memref<64x128xf32, #tpu.memory_space<vmem>>, vector<1x16xf32>,
    %get3A_308 = vector.shape_cast %get3A_307 : vector<1x16xf32> to vector<16xf32>
    %eq3A_309 = arith.constant 3 : i32
    %eq3A_310 = vector.broadcast %eq3A_309 : i32 to vector<16xi32>
    %eq3A_311 = arith.cmpi eq, %iota3A, %eq3A_310 : vector<16xi32>
    %slice3A_312 = vector.extract_strided_slice %get3A_308 {offsets = [3], sizes = [1], strides = [1]} : vector<16xf32> to vector<1xf32>
    %squeeze3A_313 = vector.extract %slice3A_312[0] : f32 from vector<1xf32>
    %broadcast_in_dim3A_314 = vector.broadcast %squeeze3A_313 : f32 to vector<16xf32>
    %select_n3A_315 = arith.select %eq3A_311, %broadcast_in_dim3A_314, %select_n3A_303 : vector<16xi1>, vector<16xf32>
    %get3A_316 = arith.constant 20 : i32
    %get3A_317 = arith.index_cast %get3A_316 : i32 to index
    %get3A_318 = arith.index_cast %add3A_265 : i32 to index
    %get3A_319 = tpu.vector_load %arg6[%get3A_317, %get3A_318] {strides = array<i32>} : memref<64x128xf32, #tpu.memory_space<vmem>>, vector<1x16xf32>,
    %get3A_320 = vector.shape_cast %get3A_319 : vector<1x16xf32> to vector<16xf32>
    %eq3A_321 = arith.constant 4 : i32
    %eq3A_322 = vector.broadcast %eq3A_321 : i32 to vector<16xi32>
    %eq3A_323 = arith.cmpi eq, %iota3A, %eq3A_322 : vector<16xi32>
    %slice3A_324 = vector.extract_strided_slice %get3A_320 {offsets = [4], sizes = [1], strides = [1]} : vector<16xf32> to vector<1xf32>
    %squeeze3A_325 = vector.extract %slice3A_324[0] : f32 from vector<1xf32>
    %broadcast_in_dim3A_326 = vector.broadcast %squeeze3A_325 : f32 to vector<16xf32>
    %select_n3A_327 = arith.select %eq3A_323, %broadcast_in_dim3A_326, %select_n3A_315 : vector<16xi1>, vector<16xf32>
    %get3A_328 = arith.constant 21 : i32
    %get3A_329 = arith.index_cast %get3A_328 : i32 to index
    %get3A_330 = arith.index_cast %add3A_265 : i32 to index
    %get3A_331 = tpu.vector_load %arg6[%get3A_329, %get3A_330] {strides = array<i32>} : memref<64x128xf32, #tpu.memory_space<vmem>>, vector<1x16xf32>,
    %get3A_332 = vector.shape_cast %get3A_331 : vector<1x16xf32> to vector<16xf32>
    %eq3A_333 = arith.constant 5 : i32
    %eq3A_334 = vector.broadcast %eq3A_333 : i32 to vector<16xi32>
    %eq3A_335 = arith.cmpi eq, %iota3A, %eq3A_334 : vector<16xi32>
    %slice3A_336 = vector.extract_strided_slice %get3A_332 {offsets = [5], sizes = [1], strides = [1]} : vector<16xf32> to vector<1xf32>
    %squeeze3A_337 = vector.extract %slice3A_336[0] : f32 from vector<1xf32>
    %broadcast_in_dim3A_338 = vector.broadcast %squeeze3A_337 : f32 to vector<16xf32>
    %select_n3A_339 = arith.select %eq3A_335, %broadcast_in_dim3A_338, %select_n3A_327 : vector<16xi1>, vector<16xf32>
    %get3A_340 = arith.constant 22 : i32
    %get3A_341 = arith.index_cast %get3A_340 : i32 to index
    %get3A_342 = arith.index_cast %add3A_265 : i32 to index
    %get3A_343 = tpu.vector_load %arg6[%get3A_341, %get3A_342] {strides = array<i32>} : memref<64x128xf32, #tpu.memory_space<vmem>>, vector<1x16xf32>,
    %get3A_344 = vector.shape_cast %get3A_343 : vector<1x16xf32> to vector<16xf32>
    %eq3A_345 = arith.constant 6 : i32
    %eq3A_346 = vector.broadcast %eq3A_345 : i32 to vector<16xi32>
    %eq3A_347 = arith.cmpi eq, %iota3A, %eq3A_346 : vector<16xi32>
    %slice3A_348 = vector.extract_strided_slice %get3A_344 {offsets = [6], sizes = [1], strides = [1]} : vector<16xf32> to vector<1xf32>
    %squeeze3A_349 = vector.extract %slice3A_348[0] : f32 from vector<1xf32>
    %broadcast_in_dim3A_350 = vector.broadcast %squeeze3A_349 : f32 to vector<16xf32>
    %select_n3A_351 = arith.select %eq3A_347, %broadcast_in_dim3A_350, %select_n3A_339 : vector<16xi1>, vector<16xf32>
    %get3A_352 = arith.constant 23 : i32
    %get3A_353 = arith.index_cast %get3A_352 : i32 to index
    %get3A_354 = arith.index_cast %add3A_265 : i32 to index
    %get3A_355 = tpu.vector_load %arg6[%get3A_353, %get3A_354] {strides = array<i32>} : memref<64x128xf32, #tpu.memory_space<vmem>>, vector<1x16xf32>,
    %get3A_356 = vector.shape_cast %get3A_355 : vector<1x16xf32> to vector<16xf32>
    %eq3A_357 = arith.constant 7 : i32
    %eq3A_358 = vector.broadcast %eq3A_357 : i32 to vector<16xi32>
    %eq3A_359 = arith.cmpi eq, %iota3A, %eq3A_358 : vector<16xi32>
    %slice3A_360 = vector.extract_strided_slice %get3A_356 {offsets = [7], sizes = [1], strides = [1]} : vector<16xf32> to vector<1xf32>
    %squeeze3A_361 = vector.extract %slice3A_360[0] : f32 from vector<1xf32>
    %broadcast_in_dim3A_362 = vector.broadcast %squeeze3A_361 : f32 to vector<16xf32>
    %select_n3A_363 = arith.select %eq3A_359, %broadcast_in_dim3A_362, %select_n3A_351 : vector<16xi1>, vector<16xf32>
    %get3A_364 = arith.constant 24 : i32
    %get3A_365 = arith.index_cast %get3A_364 : i32 to index
    %get3A_366 = arith.index_cast %add3A_265 : i32 to index
    %get3A_367 = tpu.vector_load %arg6[%get3A_365, %get3A_366] {strides = array<i32>} : memref<64x128xf32, #tpu.memory_space<vmem>>, vector<1x16xf32>,
    %get3A_368 = vector.shape_cast %get3A_367 : vector<1x16xf32> to vector<16xf32>
    %eq3A_369 = arith.constant 8 : i32
    %eq3A_370 = vector.broadcast %eq3A_369 : i32 to vector<16xi32>
    %eq3A_371 = arith.cmpi eq, %iota3A, %eq3A_370 : vector<16xi32>
    %slice3A_372 = vector.extract_strided_slice %get3A_368 {offsets = [8], sizes = [1], strides = [1]} : vector<16xf32> to vector<1xf32>
    %squeeze3A_373 = vector.extract %slice3A_372[0] : f32 from vector<1xf32>
    %broadcast_in_dim3A_374 = vector.broadcast %squeeze3A_373 : f32 to vector<16xf32>
    %select_n3A_375 = arith.select %eq3A_371, %broadcast_in_dim3A_374, %select_n3A_363 : vector<16xi1>, vector<16xf32>
    %get3A_376 = arith.constant 25 : i32
    %get3A_377 = arith.index_cast %get3A_376 : i32 to index
    %get3A_378 = arith.index_cast %add3A_265 : i32 to index
    %get3A_379 = tpu.vector_load %arg6[%get3A_377, %get3A_378] {strides = array<i32>} : memref<64x128xf32, #tpu.memory_space<vmem>>, vector<1x16xf32>,
    %get3A_380 = vector.shape_cast %get3A_379 : vector<1x16xf32> to vector<16xf32>
    %eq3A_381 = arith.constant 9 : i32
    %eq3A_382 = vector.broadcast %eq3A_381 : i32 to vector<16xi32>
    %eq3A_383 = arith.cmpi eq, %iota3A, %eq3A_382 : vector<16xi32>
    %slice3A_384 = vector.extract_strided_slice %get3A_380 {offsets = [9], sizes = [1], strides = [1]} : vector<16xf32> to vector<1xf32>
    %squeeze3A_385 = vector.extract %slice3A_384[0] : f32 from vector<1xf32>
    %broadcast_in_dim3A_386 = vector.broadcast %squeeze3A_385 : f32 to vector<16xf32>
    %select_n3A_387 = arith.select %eq3A_383, %broadcast_in_dim3A_386, %select_n3A_375 : vector<16xi1>, vector<16xf32>
    %get3A_388 = arith.constant 26 : i32
    %get3A_389 = arith.index_cast %get3A_388 : i32 to index
    %get3A_390 = arith.index_cast %add3A_265 : i32 to index
    %get3A_391 = tpu.vector_load %arg6[%get3A_389, %get3A_390] {strides = array<i32>} : memref<64x128xf32, #tpu.memory_space<vmem>>, vector<1x16xf32>,
    %get3A_392 = vector.shape_cast %get3A_391 : vector<1x16xf32> to vector<16xf32>
    %eq3A_393 = arith.constant 10 : i32
    %eq3A_394 = vector.broadcast %eq3A_393 : i32 to vector<16xi32>
    %eq3A_395 = arith.cmpi eq, %iota3A, %eq3A_394 : vector<16xi32>
    %slice3A_396 = vector.extract_strided_slice %get3A_392 {offsets = [10], sizes = [1], strides = [1]} : vector<16xf32> to vector<1xf32>
    %squeeze3A_397 = vector.extract %slice3A_396[0] : f32 from vector<1xf32>
    %broadcast_in_dim3A_398 = vector.broadcast %squeeze3A_397 : f32 to vector<16xf32>
    %select_n3A_399 = arith.select %eq3A_395, %broadcast_in_dim3A_398, %select_n3A_387 : vector<16xi1>, vector<16xf32>
    %get3A_400 = arith.constant 27 : i32
    %get3A_401 = arith.index_cast %get3A_400 : i32 to index
    %get3A_402 = arith.index_cast %add3A_265 : i32 to index
    %get3A_403 = tpu.vector_load %arg6[%get3A_401, %get3A_402] {strides = array<i32>} : memref<64x128xf32, #tpu.memory_space<vmem>>, vector<1x16xf32>,
    %get3A_404 = vector.shape_cast %get3A_403 : vector<1x16xf32> to vector<16xf32>
    %eq3A_405 = arith.constant 11 : i32
    %eq3A_406 = vector.broadcast %eq3A_405 : i32 to vector<16xi32>
    %eq3A_407 = arith.cmpi eq, %iota3A, %eq3A_406 : vector<16xi32>
    %slice3A_408 = vector.extract_strided_slice %get3A_404 {offsets = [11], sizes = [1], strides = [1]} : vector<16xf32> to vector<1xf32>
    %squeeze3A_409 = vector.extract %slice3A_408[0] : f32 from vector<1xf32>
    %broadcast_in_dim3A_410 = vector.broadcast %squeeze3A_409 : f32 to vector<16xf32>
    %select_n3A_411 = arith.select %eq3A_407, %broadcast_in_dim3A_410, %select_n3A_399 : vector<16xi1>, vector<16xf32>
    %get3A_412 = arith.constant 28 : i32
    %get3A_413 = arith.index_cast %get3A_412 : i32 to index
    %get3A_414 = arith.index_cast %add3A_265 : i32 to index
    %get3A_415 = tpu.vector_load %arg6[%get3A_413, %get3A_414] {strides = array<i32>} : memref<64x128xf32, #tpu.memory_space<vmem>>, vector<1x16xf32>,
    %get3A_416 = vector.shape_cast %get3A_415 : vector<1x16xf32> to vector<16xf32>
    %eq3A_417 = arith.constant 12 : i32
    %eq3A_418 = vector.broadcast %eq3A_417 : i32 to vector<16xi32>
    %eq3A_419 = arith.cmpi eq, %iota3A, %eq3A_418 : vector<16xi32>
    %slice3A_420 = vector.extract_strided_slice %get3A_416 {offsets = [12], sizes = [1], strides = [1]} : vector<16xf32> to vector<1xf32>
    %squeeze3A_421 = vector.extract %slice3A_420[0] : f32 from vector<1xf32>
    %broadcast_in_dim3A_422 = vector.broadcast %squeeze3A_421 : f32 to vector<16xf32>
    %select_n3A_423 = arith.select %eq3A_419, %broadcast_in_dim3A_422, %select_n3A_411 : vector<16xi1>, vector<16xf32>
    %get3A_424 = arith.constant 29 : i32
    %get3A_425 = arith.index_cast %get3A_424 : i32 to index
    %get3A_426 = arith.index_cast %add3A_265 : i32 to index
    %get3A_427 = tpu.vector_load %arg6[%get3A_425, %get3A_426] {strides = array<i32>} : memref<64x128xf32, #tpu.memory_space<vmem>>, vector<1x16xf32>,
    %get3A_428 = vector.shape_cast %get3A_427 : vector<1x16xf32> to vector<16xf32>
    %eq3A_429 = arith.constant 13 : i32
    %eq3A_430 = vector.broadcast %eq3A_429 : i32 to vector<16xi32>
    %eq3A_431 = arith.cmpi eq, %iota3A, %eq3A_430 : vector<16xi32>
    %slice3A_432 = vector.extract_strided_slice %get3A_428 {offsets = [13], sizes = [1], strides = [1]} : vector<16xf32> to vector<1xf32>
    %squeeze3A_433 = vector.extract %slice3A_432[0] : f32 from vector<1xf32>
    %broadcast_in_dim3A_434 = vector.broadcast %squeeze3A_433 : f32 to vector<16xf32>
    %select_n3A_435 = arith.select %eq3A_431, %broadcast_in_dim3A_434, %select_n3A_423 : vector<16xi1>, vector<16xf32>
    %get3A_436 = arith.constant 30 : i32
    %get3A_437 = arith.index_cast %get3A_436 : i32 to index
    %get3A_438 = arith.index_cast %add3A_265 : i32 to index
    %get3A_439 = tpu.vector_load %arg6[%get3A_437, %get3A_438] {strides = array<i32>} : memref<64x128xf32, #tpu.memory_space<vmem>>, vector<1x16xf32>,
    %get3A_440 = vector.shape_cast %get3A_439 : vector<1x16xf32> to vector<16xf32>
    %eq3A_441 = arith.constant 14 : i32
    %eq3A_442 = vector.broadcast %eq3A_441 : i32 to vector<16xi32>
    %eq3A_443 = arith.cmpi eq, %iota3A, %eq3A_442 : vector<16xi32>
    %slice3A_444 = vector.extract_strided_slice %get3A_440 {offsets = [14], sizes = [1], strides = [1]} : vector<16xf32> to vector<1xf32>
    %squeeze3A_445 = vector.extract %slice3A_444[0] : f32 from vector<1xf32>
    %broadcast_in_dim3A_446 = vector.broadcast %squeeze3A_445 : f32 to vector<16xf32>
    %select_n3A_447 = arith.select %eq3A_443, %broadcast_in_dim3A_446, %select_n3A_435 : vector<16xi1>, vector<16xf32>
    %get3A_448 = arith.constant 31 : i32
    %get3A_449 = arith.index_cast %get3A_448 : i32 to index
    %get3A_450 = arith.index_cast %add3A_265 : i32 to index
    %get3A_451 = tpu.vector_load %arg6[%get3A_449, %get3A_450] {strides = array<i32>} : memref<64x128xf32, #tpu.memory_space<vmem>>, vector<1x16xf32>,
    %get3A_452 = vector.shape_cast %get3A_451 : vector<1x16xf32> to vector<16xf32>
    %eq3A_453 = arith.constant 15 : i32
    %eq3A_454 = vector.broadcast %eq3A_453 : i32 to vector<16xi32>
    %eq3A_455 = arith.cmpi eq, %iota3A, %eq3A_454 : vector<16xi32>
    %slice3A_456 = vector.extract_strided_slice %get3A_452 {offsets = [15], sizes = [1], strides = [1]} : vector<16xf32> to vector<1xf32>
    %squeeze3A_457 = vector.extract %slice3A_456[0] : f32 from vector<1xf32>
    %broadcast_in_dim3A_458 = vector.broadcast %squeeze3A_457 : f32 to vector<16xf32>
    %select_n3A_459 = arith.select %eq3A_455, %broadcast_in_dim3A_458, %select_n3A_447 : vector<16xi1>, vector<16xf32>
    %add3A_460 = arith.constant 1.000000e-07 : f32
    %add3A_461 = vector.broadcast %add3A_460 : f32 to vector<16xf32>
    %add3A_462 = arith.addf %select_n3A_459, %add3A_461 : vector<16xf32>
    %bitcast_convert_type3A_463 = tpu.bitcast %add3A_462 : vector<16xf32> -> vector<16xi32>
    %shift_right_arithmetic3A_464 = arith.constant 23 : i32
    %shift_right_arithmetic3A_465 = vector.broadcast %shift_right_arithmetic3A_464 : i32 to vector<16xi32>
    %shift_right_arithmetic3A_466 = arith.shrsi %bitcast_convert_type3A_463, %shift_right_arithmetic3A_465 : vector<16xi32>
    %sub3A_467 = arith.constant 127 : i32
    %sub3A_468 = vector.broadcast %sub3A_467 : i32 to vector<16xi32>
    %sub3A_469 = arith.subi %shift_right_arithmetic3A_466, %sub3A_468 : vector<16xi32>
    %and3A_470 = arith.constant 8388607 : i32
    %and3A_471 = vector.broadcast %and3A_470 : i32 to vector<16xi32>
    %and3A_472 = arith.andi %bitcast_convert_type3A_463, %and3A_471 : vector<16xi32>
    %or3A_473 = arith.constant 1065353216 : i32
    %or3A_474 = vector.broadcast %or3A_473 : i32 to vector<16xi32>
    %or3A_475 = arith.ori %and3A_472, %or3A_474 : vector<16xi32>
    %bitcast_convert_type3A_476 = tpu.bitcast %or3A_475 : vector<16xi32> -> vector<16xf32>
    %sub3A_477 = arith.constant 1.000000e+00 : f32
    %sub3A_478 = vector.broadcast %sub3A_477 : f32 to vector<16xf32>
    %sub3A_479 = arith.subf %bitcast_convert_type3A_476, %sub3A_478 : vector<16xf32>
    %add3A_480 = arith.constant 1.000000e+00 : f32
    %add3A_481 = vector.broadcast %add3A_480 : f32 to vector<16xf32>
    %add3A_482 = arith.addf %bitcast_convert_type3A_476, %add3A_481 : vector<16xf32>
    %div3A_483 = arith.divf %sub3A_479, %add3A_482 : vector<16xf32>
    %mul3A_484 = arith.mulf %div3A_483, %div3A_483 : vector<16xf32>
    %mul3A_485 = arith.constant 2.000000e+00 : f32
    %mul3A_486 = vector.broadcast %mul3A_485 : f32 to vector<16xf32>
    %mul3A_487 = arith.mulf %mul3A_486, %div3A_483 : vector<16xf32>
    %mul3A_488 = arith.constant 0.111111112 : f32
    %mul3A_489 = vector.broadcast %mul3A_488 : f32 to vector<16xf32>
    %mul3A_490 = arith.mulf %mul3A_484, %mul3A_489 : vector<16xf32>
    %add3A_491 = arith.constant 0.142857149 : f32
    %add3A_492 = vector.broadcast %add3A_491 : f32 to vector<16xf32>
    %add3A_493 = arith.addf %add3A_492, %mul3A_490 : vector<16xf32>
    %mul3A_494 = arith.mulf %mul3A_484, %add3A_493 : vector<16xf32>
    %add3A_495 = arith.constant 2.000000e-01 : f32
    %add3A_496 = vector.broadcast %add3A_495 : f32 to vector<16xf32>
    %add3A_497 = arith.addf %add3A_496, %mul3A_494 : vector<16xf32>
    %mul3A_498 = arith.mulf %mul3A_484, %add3A_497 : vector<16xf32>
    %add3A_499 = arith.constant 0.333333343 : f32
    %add3A_500 = vector.broadcast %add3A_499 : f32 to vector<16xf32>
    %add3A_501 = arith.addf %add3A_500, %mul3A_498 : vector<16xf32>
    %mul3A_502 = arith.mulf %mul3A_484, %add3A_501 : vector<16xf32>
    %add3A_503 = arith.constant 1.000000e+00 : f32
    %add3A_504 = vector.broadcast %add3A_503 : f32 to vector<16xf32>
    %add3A_505 = arith.addf %add3A_504, %mul3A_502 : vector<16xf32>
    %mul3A_506 = arith.mulf %mul3A_487, %add3A_505 : vector<16xf32>
    %convert_element_type3A_507 = arith.sitofp %sub3A_469 : vector<16xi32> to vector<16xf32>
    %mul3A_508 = arith.constant 0.693147182 : f32
    %mul3A_509 = vector.broadcast %mul3A_508 : f32 to vector<16xf32>
    %mul3A_510 = arith.mulf %convert_element_type3A_507, %mul3A_509 : vector<16xf32>
    %add3A_511 = arith.addf %mul3A_510, %mul3A_506 : vector<16xf32>
    %add3A_512 = arith.addf %add3A_262, %add3A_511 : vector<16xf32>
    %sub3A_513 = arith.subi %multiple_of3A, %mul3A_18 : i32
    %add3A_514 = arith.constant 32 : i32
    %add3A_515 = arith.addi %sub3A_513, %add3A_514 : i32
    %broadcast_in_dim3A_516 = arith.constant 0.000000e+00 : f32
    %broadcast_in_dim3A_517 = vector.broadcast %broadcast_in_dim3A_516 : f32 to vector<16xf32>
    %get3A_518 = arith.constant 32 : i32
    %get3A_519 = arith.index_cast %get3A_518 : i32 to index
    %get3A_520 = arith.index_cast %add3A_515 : i32 to index
    %get3A_521 = tpu.vector_load %arg6[%get3A_519, %get3A_520] {strides = array<i32>} : memref<64x128xf32, #tpu.memory_space<vmem>>, vector<1x16xf32>,
    %get3A_522 = vector.shape_cast %get3A_521 : vector<1x16xf32> to vector<16xf32>
    %eq3A_523 = arith.constant 0 : i32
    %eq3A_524 = vector.broadcast %eq3A_523 : i32 to vector<16xi32>
    %eq3A_525 = arith.cmpi eq, %iota3A, %eq3A_524 : vector<16xi32>
    %slice3A_526 = vector.extract_strided_slice %get3A_522 {offsets = [0], sizes = [1], strides = [1]} : vector<16xf32> to vector<1xf32>
    %squeeze3A_527 = vector.extract %slice3A_526[0] : f32 from vector<1xf32>
    %broadcast_in_dim3A_528 = vector.broadcast %squeeze3A_527 : f32 to vector<16xf32>
    %select_n3A_529 = arith.select %eq3A_525, %broadcast_in_dim3A_528, %broadcast_in_dim3A_517 : vector<16xi1>, vector<16xf32>
    %get3A_530 = arith.constant 33 : i32
    %get3A_531 = arith.index_cast %get3A_530 : i32 to index
    %get3A_532 = arith.index_cast %add3A_515 : i32 to index
    %get3A_533 = tpu.vector_load %arg6[%get3A_531, %get3A_532] {strides = array<i32>} : memref<64x128xf32, #tpu.memory_space<vmem>>, vector<1x16xf32>,
    %get3A_534 = vector.shape_cast %get3A_533 : vector<1x16xf32> to vector<16xf32>
    %eq3A_535 = arith.constant 1 : i32
    %eq3A_536 = vector.broadcast %eq3A_535 : i32 to vector<16xi32>
    %eq3A_537 = arith.cmpi eq, %iota3A, %eq3A_536 : vector<16xi32>
    %slice3A_538 = vector.extract_strided_slice %get3A_534 {offsets = [1], sizes = [1], strides = [1]} : vector<16xf32> to vector<1xf32>
    %squeeze3A_539 = vector.extract %slice3A_538[0] : f32 from vector<1xf32>
    %broadcast_in_dim3A_540 = vector.broadcast %squeeze3A_539 : f32 to vector<16xf32>
    %select_n3A_541 = arith.select %eq3A_537, %broadcast_in_dim3A_540, %select_n3A_529 : vector<16xi1>, vector<16xf32>
    %get3A_542 = arith.constant 34 : i32
    %get3A_543 = arith.index_cast %get3A_542 : i32 to index
    %get3A_544 = arith.index_cast %add3A_515 : i32 to index
    %get3A_545 = tpu.vector_load %arg6[%get3A_543, %get3A_544] {strides = array<i32>} : memref<64x128xf32, #tpu.memory_space<vmem>>, vector<1x16xf32>,
    %get3A_546 = vector.shape_cast %get3A_545 : vector<1x16xf32> to vector<16xf32>
    %eq3A_547 = arith.constant 2 : i32
    %eq3A_548 = vector.broadcast %eq3A_547 : i32 to vector<16xi32>
    %eq3A_549 = arith.cmpi eq, %iota3A, %eq3A_548 : vector<16xi32>
    %slice3A_550 = vector.extract_strided_slice %get3A_546 {offsets = [2], sizes = [1], strides = [1]} : vector<16xf32> to vector<1xf32>
    %squeeze3A_551 = vector.extract %slice3A_550[0] : f32 from vector<1xf32>
    %broadcast_in_dim3A_552 = vector.broadcast %squeeze3A_551 : f32 to vector<16xf32>
    %select_n3A_553 = arith.select %eq3A_549, %broadcast_in_dim3A_552, %select_n3A_541 : vector<16xi1>, vector<16xf32>
    %get3A_554 = arith.constant 35 : i32
    %get3A_555 = arith.index_cast %get3A_554 : i32 to index
    %get3A_556 = arith.index_cast %add3A_515 : i32 to index
    %get3A_557 = tpu.vector_load %arg6[%get3A_555, %get3A_556] {strides = array<i32>} : memref<64x128xf32, #tpu.memory_space<vmem>>, vector<1x16xf32>,
    %get3A_558 = vector.shape_cast %get3A_557 : vector<1x16xf32> to vector<16xf32>
    %eq3A_559 = arith.constant 3 : i32
    %eq3A_560 = vector.broadcast %eq3A_559 : i32 to vector<16xi32>
    %eq3A_561 = arith.cmpi eq, %iota3A, %eq3A_560 : vector<16xi32>
    %slice3A_562 = vector.extract_strided_slice %get3A_558 {offsets = [3], sizes = [1], strides = [1]} : vector<16xf32> to vector<1xf32>
    %squeeze3A_563 = vector.extract %slice3A_562[0] : f32 from vector<1xf32>
    %broadcast_in_dim3A_564 = vector.broadcast %squeeze3A_563 : f32 to vector<16xf32>
    %select_n3A_565 = arith.select %eq3A_561, %broadcast_in_dim3A_564, %select_n3A_553 : vector<16xi1>, vector<16xf32>
    %get3A_566 = arith.constant 36 : i32
    %get3A_567 = arith.index_cast %get3A_566 : i32 to index
    %get3A_568 = arith.index_cast %add3A_515 : i32 to index
    %get3A_569 = tpu.vector_load %arg6[%get3A_567, %get3A_568] {strides = array<i32>} : memref<64x128xf32, #tpu.memory_space<vmem>>, vector<1x16xf32>,
    %get3A_570 = vector.shape_cast %get3A_569 : vector<1x16xf32> to vector<16xf32>
    %eq3A_571 = arith.constant 4 : i32
    %eq3A_572 = vector.broadcast %eq3A_571 : i32 to vector<16xi32>
    %eq3A_573 = arith.cmpi eq, %iota3A, %eq3A_572 : vector<16xi32>
    %slice3A_574 = vector.extract_strided_slice %get3A_570 {offsets = [4], sizes = [1], strides = [1]} : vector<16xf32> to vector<1xf32>
    %squeeze3A_575 = vector.extract %slice3A_574[0] : f32 from vector<1xf32>
    %broadcast_in_dim3A_576 = vector.broadcast %squeeze3A_575 : f32 to vector<16xf32>
    %select_n3A_577 = arith.select %eq3A_573, %broadcast_in_dim3A_576, %select_n3A_565 : vector<16xi1>, vector<16xf32>
    %get3A_578 = arith.constant 37 : i32
    %get3A_579 = arith.index_cast %get3A_578 : i32 to index
    %get3A_580 = arith.index_cast %add3A_515 : i32 to index
    %get3A_581 = tpu.vector_load %arg6[%get3A_579, %get3A_580] {strides = array<i32>} : memref<64x128xf32, #tpu.memory_space<vmem>>, vector<1x16xf32>,
    %get3A_582 = vector.shape_cast %get3A_581 : vector<1x16xf32> to vector<16xf32>
    %eq3A_583 = arith.constant 5 : i32
    %eq3A_584 = vector.broadcast %eq3A_583 : i32 to vector<16xi32>
    %eq3A_585 = arith.cmpi eq, %iota3A, %eq3A_584 : vector<16xi32>
    %slice3A_586 = vector.extract_strided_slice %get3A_582 {offsets = [5], sizes = [1], strides = [1]} : vector<16xf32> to vector<1xf32>
    %squeeze3A_587 = vector.extract %slice3A_586[0] : f32 from vector<1xf32>
    %broadcast_in_dim3A_588 = vector.broadcast %squeeze3A_587 : f32 to vector<16xf32>
    %select_n3A_589 = arith.select %eq3A_585, %broadcast_in_dim3A_588, %select_n3A_577 : vector<16xi1>, vector<16xf32>
    %get3A_590 = arith.constant 38 : i32
    %get3A_591 = arith.index_cast %get3A_590 : i32 to index
    %get3A_592 = arith.index_cast %add3A_515 : i32 to index
    %get3A_593 = tpu.vector_load %arg6[%get3A_591, %get3A_592] {strides = array<i32>} : memref<64x128xf32, #tpu.memory_space<vmem>>, vector<1x16xf32>,
    %get3A_594 = vector.shape_cast %get3A_593 : vector<1x16xf32> to vector<16xf32>
    %eq3A_595 = arith.constant 6 : i32
    %eq3A_596 = vector.broadcast %eq3A_595 : i32 to vector<16xi32>
    %eq3A_597 = arith.cmpi eq, %iota3A, %eq3A_596 : vector<16xi32>
    %slice3A_598 = vector.extract_strided_slice %get3A_594 {offsets = [6], sizes = [1], strides = [1]} : vector<16xf32> to vector<1xf32>
    %squeeze3A_599 = vector.extract %slice3A_598[0] : f32 from vector<1xf32>
    %broadcast_in_dim3A_600 = vector.broadcast %squeeze3A_599 : f32 to vector<16xf32>
    %select_n3A_601 = arith.select %eq3A_597, %broadcast_in_dim3A_600, %select_n3A_589 : vector<16xi1>, vector<16xf32>
    %get3A_602 = arith.constant 39 : i32
    %get3A_603 = arith.index_cast %get3A_602 : i32 to index
    %get3A_604 = arith.index_cast %add3A_515 : i32 to index
    %get3A_605 = tpu.vector_load %arg6[%get3A_603, %get3A_604] {strides = array<i32>} : memref<64x128xf32, #tpu.memory_space<vmem>>, vector<1x16xf32>,
    %get3A_606 = vector.shape_cast %get3A_605 : vector<1x16xf32> to vector<16xf32>
    %eq3A_607 = arith.constant 7 : i32
    %eq3A_608 = vector.broadcast %eq3A_607 : i32 to vector<16xi32>
    %eq3A_609 = arith.cmpi eq, %iota3A, %eq3A_608 : vector<16xi32>
    %slice3A_610 = vector.extract_strided_slice %get3A_606 {offsets = [7], sizes = [1], strides = [1]} : vector<16xf32> to vector<1xf32>
    %squeeze3A_611 = vector.extract %slice3A_610[0] : f32 from vector<1xf32>
    %broadcast_in_dim3A_612 = vector.broadcast %squeeze3A_611 : f32 to vector<16xf32>
    %select_n3A_613 = arith.select %eq3A_609, %broadcast_in_dim3A_612, %select_n3A_601 : vector<16xi1>, vector<16xf32>
    %get3A_614 = arith.constant 40 : i32
    %get3A_615 = arith.index_cast %get3A_614 : i32 to index
    %get3A_616 = arith.index_cast %add3A_515 : i32 to index
    %get3A_617 = tpu.vector_load %arg6[%get3A_615, %get3A_616] {strides = array<i32>} : memref<64x128xf32, #tpu.memory_space<vmem>>, vector<1x16xf32>,
    %get3A_618 = vector.shape_cast %get3A_617 : vector<1x16xf32> to vector<16xf32>
    %eq3A_619 = arith.constant 8 : i32
    %eq3A_620 = vector.broadcast %eq3A_619 : i32 to vector<16xi32>
    %eq3A_621 = arith.cmpi eq, %iota3A, %eq3A_620 : vector<16xi32>
    %slice3A_622 = vector.extract_strided_slice %get3A_618 {offsets = [8], sizes = [1], strides = [1]} : vector<16xf32> to vector<1xf32>
    %squeeze3A_623 = vector.extract %slice3A_622[0] : f32 from vector<1xf32>
    %broadcast_in_dim3A_624 = vector.broadcast %squeeze3A_623 : f32 to vector<16xf32>
    %select_n3A_625 = arith.select %eq3A_621, %broadcast_in_dim3A_624, %select_n3A_613 : vector<16xi1>, vector<16xf32>
    %get3A_626 = arith.constant 41 : i32
    %get3A_627 = arith.index_cast %get3A_626 : i32 to index
    %get3A_628 = arith.index_cast %add3A_515 : i32 to index
    %get3A_629 = tpu.vector_load %arg6[%get3A_627, %get3A_628] {strides = array<i32>} : memref<64x128xf32, #tpu.memory_space<vmem>>, vector<1x16xf32>,
    %get3A_630 = vector.shape_cast %get3A_629 : vector<1x16xf32> to vector<16xf32>
    %eq3A_631 = arith.constant 9 : i32
    %eq3A_632 = vector.broadcast %eq3A_631 : i32 to vector<16xi32>
    %eq3A_633 = arith.cmpi eq, %iota3A, %eq3A_632 : vector<16xi32>
    %slice3A_634 = vector.extract_strided_slice %get3A_630 {offsets = [9], sizes = [1], strides = [1]} : vector<16xf32> to vector<1xf32>
    %squeeze3A_635 = vector.extract %slice3A_634[0] : f32 from vector<1xf32>
    %broadcast_in_dim3A_636 = vector.broadcast %squeeze3A_635 : f32 to vector<16xf32>
    %select_n3A_637 = arith.select %eq3A_633, %broadcast_in_dim3A_636, %select_n3A_625 : vector<16xi1>, vector<16xf32>
    %get3A_638 = arith.constant 42 : i32
    %get3A_639 = arith.index_cast %get3A_638 : i32 to index
    %get3A_640 = arith.index_cast %add3A_515 : i32 to index
    %get3A_641 = tpu.vector_load %arg6[%get3A_639, %get3A_640] {strides = array<i32>} : memref<64x128xf32, #tpu.memory_space<vmem>>, vector<1x16xf32>,
    %get3A_642 = vector.shape_cast %get3A_641 : vector<1x16xf32> to vector<16xf32>
    %eq3A_643 = arith.constant 10 : i32
    %eq3A_644 = vector.broadcast %eq3A_643 : i32 to vector<16xi32>
    %eq3A_645 = arith.cmpi eq, %iota3A, %eq3A_644 : vector<16xi32>
    %slice3A_646 = vector.extract_strided_slice %get3A_642 {offsets = [10], sizes = [1], strides = [1]} : vector<16xf32> to vector<1xf32>
    %squeeze3A_647 = vector.extract %slice3A_646[0] : f32 from vector<1xf32>
    %broadcast_in_dim3A_648 = vector.broadcast %squeeze3A_647 : f32 to vector<16xf32>
    %select_n3A_649 = arith.select %eq3A_645, %broadcast_in_dim3A_648, %select_n3A_637 : vector<16xi1>, vector<16xf32>
    %get3A_650 = arith.constant 43 : i32
    %get3A_651 = arith.index_cast %get3A_650 : i32 to index
    %get3A_652 = arith.index_cast %add3A_515 : i32 to index
    %get3A_653 = tpu.vector_load %arg6[%get3A_651, %get3A_652] {strides = array<i32>} : memref<64x128xf32, #tpu.memory_space<vmem>>, vector<1x16xf32>,
    %get3A_654 = vector.shape_cast %get3A_653 : vector<1x16xf32> to vector<16xf32>
    %eq3A_655 = arith.constant 11 : i32
    %eq3A_656 = vector.broadcast %eq3A_655 : i32 to vector<16xi32>
    %eq3A_657 = arith.cmpi eq, %iota3A, %eq3A_656 : vector<16xi32>
    %slice3A_658 = vector.extract_strided_slice %get3A_654 {offsets = [11], sizes = [1], strides = [1]} : vector<16xf32> to vector<1xf32>
    %squeeze3A_659 = vector.extract %slice3A_658[0] : f32 from vector<1xf32>
    %broadcast_in_dim3A_660 = vector.broadcast %squeeze3A_659 : f32 to vector<16xf32>
    %select_n3A_661 = arith.select %eq3A_657, %broadcast_in_dim3A_660, %select_n3A_649 : vector<16xi1>, vector<16xf32>
    %get3A_662 = arith.constant 44 : i32
    %get3A_663 = arith.index_cast %get3A_662 : i32 to index
    %get3A_664 = arith.index_cast %add3A_515 : i32 to index
    %get3A_665 = tpu.vector_load %arg6[%get3A_663, %get3A_664] {strides = array<i32>} : memref<64x128xf32, #tpu.memory_space<vmem>>, vector<1x16xf32>,
    %get3A_666 = vector.shape_cast %get3A_665 : vector<1x16xf32> to vector<16xf32>
    %eq3A_667 = arith.constant 12 : i32
    %eq3A_668 = vector.broadcast %eq3A_667 : i32 to vector<16xi32>
    %eq3A_669 = arith.cmpi eq, %iota3A, %eq3A_668 : vector<16xi32>
    %slice3A_670 = vector.extract_strided_slice %get3A_666 {offsets = [12], sizes = [1], strides = [1]} : vector<16xf32> to vector<1xf32>
    %squeeze3A_671 = vector.extract %slice3A_670[0] : f32 from vector<1xf32>
    %broadcast_in_dim3A_672 = vector.broadcast %squeeze3A_671 : f32 to vector<16xf32>
    %select_n3A_673 = arith.select %eq3A_669, %broadcast_in_dim3A_672, %select_n3A_661 : vector<16xi1>, vector<16xf32>
    %get3A_674 = arith.constant 45 : i32
    %get3A_675 = arith.index_cast %get3A_674 : i32 to index
    %get3A_676 = arith.index_cast %add3A_515 : i32 to index
    %get3A_677 = tpu.vector_load %arg6[%get3A_675, %get3A_676] {strides = array<i32>} : memref<64x128xf32, #tpu.memory_space<vmem>>, vector<1x16xf32>,
    %get3A_678 = vector.shape_cast %get3A_677 : vector<1x16xf32> to vector<16xf32>
    %eq3A_679 = arith.constant 13 : i32
    %eq3A_680 = vector.broadcast %eq3A_679 : i32 to vector<16xi32>
    %eq3A_681 = arith.cmpi eq, %iota3A, %eq3A_680 : vector<16xi32>
    %slice3A_682 = vector.extract_strided_slice %get3A_678 {offsets = [13], sizes = [1], strides = [1]} : vector<16xf32> to vector<1xf32>
    %squeeze3A_683 = vector.extract %slice3A_682[0] : f32 from vector<1xf32>
    %broadcast_in_dim3A_684 = vector.broadcast %squeeze3A_683 : f32 to vector<16xf32>
    %select_n3A_685 = arith.select %eq3A_681, %broadcast_in_dim3A_684, %select_n3A_673 : vector<16xi1>, vector<16xf32>
    %get3A_686 = arith.constant 46 : i32
    %get3A_687 = arith.index_cast %get3A_686 : i32 to index
    %get3A_688 = arith.index_cast %add3A_515 : i32 to index
    %get3A_689 = tpu.vector_load %arg6[%get3A_687, %get3A_688] {strides = array<i32>} : memref<64x128xf32, #tpu.memory_space<vmem>>, vector<1x16xf32>,
    %get3A_690 = vector.shape_cast %get3A_689 : vector<1x16xf32> to vector<16xf32>
    %eq3A_691 = arith.constant 14 : i32
    %eq3A_692 = vector.broadcast %eq3A_691 : i32 to vector<16xi32>
    %eq3A_693 = arith.cmpi eq, %iota3A, %eq3A_692 : vector<16xi32>
    %slice3A_694 = vector.extract_strided_slice %get3A_690 {offsets = [14], sizes = [1], strides = [1]} : vector<16xf32> to vector<1xf32>
    %squeeze3A_695 = vector.extract %slice3A_694[0] : f32 from vector<1xf32>
    %broadcast_in_dim3A_696 = vector.broadcast %squeeze3A_695 : f32 to vector<16xf32>
    %select_n3A_697 = arith.select %eq3A_693, %broadcast_in_dim3A_696, %select_n3A_685 : vector<16xi1>, vector<16xf32>
    %get3A_698 = arith.constant 47 : i32
    %get3A_699 = arith.index_cast %get3A_698 : i32 to index
    %get3A_700 = arith.index_cast %add3A_515 : i32 to index
    %get3A_701 = tpu.vector_load %arg6[%get3A_699, %get3A_700] {strides = array<i32>} : memref<64x128xf32, #tpu.memory_space<vmem>>, vector<1x16xf32>,
    %get3A_702 = vector.shape_cast %get3A_701 : vector<1x16xf32> to vector<16xf32>
    %eq3A_703 = arith.constant 15 : i32
    %eq3A_704 = vector.broadcast %eq3A_703 : i32 to vector<16xi32>
    %eq3A_705 = arith.cmpi eq, %iota3A, %eq3A_704 : vector<16xi32>
    %slice3A_706 = vector.extract_strided_slice %get3A_702 {offsets = [15], sizes = [1], strides = [1]} : vector<16xf32> to vector<1xf32>
    %squeeze3A_707 = vector.extract %slice3A_706[0] : f32 from vector<1xf32>
    %broadcast_in_dim3A_708 = vector.broadcast %squeeze3A_707 : f32 to vector<16xf32>
    %select_n3A_709 = arith.select %eq3A_705, %broadcast_in_dim3A_708, %select_n3A_697 : vector<16xi1>, vector<16xf32>
    %add3A_710 = arith.constant 1.000000e-07 : f32
    %add3A_711 = vector.broadcast %add3A_710 : f32 to vector<16xf32>
    %add3A_712 = arith.addf %select_n3A_709, %add3A_711 : vector<16xf32>
    %bitcast_convert_type3A_713 = tpu.bitcast %add3A_712 : vector<16xf32> -> vector<16xi32>
    %shift_right_arithmetic3A_714 = arith.constant 23 : i32
    %shift_right_arithmetic3A_715 = vector.broadcast %shift_right_arithmetic3A_714 : i32 to vector<16xi32>
    %shift_right_arithmetic3A_716 = arith.shrsi %bitcast_convert_type3A_713, %shift_right_arithmetic3A_715 : vector<16xi32>
    %sub3A_717 = arith.constant 127 : i32
    %sub3A_718 = vector.broadcast %sub3A_717 : i32 to vector<16xi32>
    %sub3A_719 = arith.subi %shift_right_arithmetic3A_716, %sub3A_718 : vector<16xi32>
    %and3A_720 = arith.constant 8388607 : i32
    %and3A_721 = vector.broadcast %and3A_720 : i32 to vector<16xi32>
    %and3A_722 = arith.andi %bitcast_convert_type3A_713, %and3A_721 : vector<16xi32>
    %or3A_723 = arith.constant 1065353216 : i32
    %or3A_724 = vector.broadcast %or3A_723 : i32 to vector<16xi32>
    %or3A_725 = arith.ori %and3A_722, %or3A_724 : vector<16xi32>
    %bitcast_convert_type3A_726 = tpu.bitcast %or3A_725 : vector<16xi32> -> vector<16xf32>
    %sub3A_727 = arith.constant 1.000000e+00 : f32
    %sub3A_728 = vector.broadcast %sub3A_727 : f32 to vector<16xf32>
    %sub3A_729 = arith.subf %bitcast_convert_type3A_726, %sub3A_728 : vector<16xf32>
    %add3A_730 = arith.constant 1.000000e+00 : f32
    %add3A_731 = vector.broadcast %add3A_730 : f32 to vector<16xf32>
    %add3A_732 = arith.addf %bitcast_convert_type3A_726, %add3A_731 : vector<16xf32>
    %div3A_733 = arith.divf %sub3A_729, %add3A_732 : vector<16xf32>
    %mul3A_734 = arith.mulf %div3A_733, %div3A_733 : vector<16xf32>
    %mul3A_735 = arith.constant 2.000000e+00 : f32
    %mul3A_736 = vector.broadcast %mul3A_735 : f32 to vector<16xf32>
    %mul3A_737 = arith.mulf %mul3A_736, %div3A_733 : vector<16xf32>
    %mul3A_738 = arith.constant 0.111111112 : f32
    %mul3A_739 = vector.broadcast %mul3A_738 : f32 to vector<16xf32>
    %mul3A_740 = arith.mulf %mul3A_734, %mul3A_739 : vector<16xf32>
    %add3A_741 = arith.constant 0.142857149 : f32
    %add3A_742 = vector.broadcast %add3A_741 : f32 to vector<16xf32>
    %add3A_743 = arith.addf %add3A_742, %mul3A_740 : vector<16xf32>
    %mul3A_744 = arith.mulf %mul3A_734, %add3A_743 : vector<16xf32>
    %add3A_745 = arith.constant 2.000000e-01 : f32
    %add3A_746 = vector.broadcast %add3A_745 : f32 to vector<16xf32>
    %add3A_747 = arith.addf %add3A_746, %mul3A_744 : vector<16xf32>
    %mul3A_748 = arith.mulf %mul3A_734, %add3A_747 : vector<16xf32>
    %add3A_749 = arith.constant 0.333333343 : f32
    %add3A_750 = vector.broadcast %add3A_749 : f32 to vector<16xf32>
    %add3A_751 = arith.addf %add3A_750, %mul3A_748 : vector<16xf32>
    %mul3A_752 = arith.mulf %mul3A_734, %add3A_751 : vector<16xf32>
    %add3A_753 = arith.constant 1.000000e+00 : f32
    %add3A_754 = vector.broadcast %add3A_753 : f32 to vector<16xf32>
    %add3A_755 = arith.addf %add3A_754, %mul3A_752 : vector<16xf32>
    %mul3A_756 = arith.mulf %mul3A_737, %add3A_755 : vector<16xf32>
    %convert_element_type3A_757 = arith.sitofp %sub3A_719 : vector<16xi32> to vector<16xf32>
    %mul3A_758 = arith.constant 0.693147182 : f32
    %mul3A_759 = vector.broadcast %mul3A_758 : f32 to vector<16xf32>
    %mul3A_760 = arith.mulf %convert_element_type3A_757, %mul3A_759 : vector<16xf32>
    %add3A_761 = arith.addf %mul3A_760, %mul3A_756 : vector<16xf32>
    %add3A_762 = arith.addf %add3A_512, %add3A_761 : vector<16xf32>
    %sub3A_763 = arith.subi %multiple_of3A, %mul3A_18 : i32
    %add3A_764 = arith.constant 48 : i32
    %add3A_765 = arith.addi %sub3A_763, %add3A_764 : i32
    %broadcast_in_dim3A_766 = arith.constant 0.000000e+00 : f32
    %broadcast_in_dim3A_767 = vector.broadcast %broadcast_in_dim3A_766 : f32 to vector<16xf32>
    %get3A_768 = arith.constant 48 : i32
    %get3A_769 = arith.index_cast %get3A_768 : i32 to index
    %get3A_770 = arith.index_cast %add3A_765 : i32 to index
    %get3A_771 = tpu.vector_load %arg6[%get3A_769, %get3A_770] {strides = array<i32>} : memref<64x128xf32, #tpu.memory_space<vmem>>, vector<1x16xf32>,
    %get3A_772 = vector.shape_cast %get3A_771 : vector<1x16xf32> to vector<16xf32>
    %eq3A_773 = arith.constant 0 : i32
    %eq3A_774 = vector.broadcast %eq3A_773 : i32 to vector<16xi32>
    %eq3A_775 = arith.cmpi eq, %iota3A, %eq3A_774 : vector<16xi32>
    %slice3A_776 = vector.extract_strided_slice %get3A_772 {offsets = [0], sizes = [1], strides = [1]} : vector<16xf32> to vector<1xf32>
    %squeeze3A_777 = vector.extract %slice3A_776[0] : f32 from vector<1xf32>
    %broadcast_in_dim3A_778 = vector.broadcast %squeeze3A_777 : f32 to vector<16xf32>
    %select_n3A_779 = arith.select %eq3A_775, %broadcast_in_dim3A_778, %broadcast_in_dim3A_767 : vector<16xi1>, vector<16xf32>
    %get3A_780 = arith.constant 49 : i32
    %get3A_781 = arith.index_cast %get3A_780 : i32 to index
    %get3A_782 = arith.index_cast %add3A_765 : i32 to index
    %get3A_783 = tpu.vector_load %arg6[%get3A_781, %get3A_782] {strides = array<i32>} : memref<64x128xf32, #tpu.memory_space<vmem>>, vector<1x16xf32>,
    %get3A_784 = vector.shape_cast %get3A_783 : vector<1x16xf32> to vector<16xf32>
    %eq3A_785 = arith.constant 1 : i32
    %eq3A_786 = vector.broadcast %eq3A_785 : i32 to vector<16xi32>
    %eq3A_787 = arith.cmpi eq, %iota3A, %eq3A_786 : vector<16xi32>
    %slice3A_788 = vector.extract_strided_slice %get3A_784 {offsets = [1], sizes = [1], strides = [1]} : vector<16xf32> to vector<1xf32>
    %squeeze3A_789 = vector.extract %slice3A_788[0] : f32 from vector<1xf32>
    %broadcast_in_dim3A_790 = vector.broadcast %squeeze3A_789 : f32 to vector<16xf32>
    %select_n3A_791 = arith.select %eq3A_787, %broadcast_in_dim3A_790, %select_n3A_779 : vector<16xi1>, vector<16xf32>
    %get3A_792 = arith.constant 50 : i32
    %get3A_793 = arith.index_cast %get3A_792 : i32 to index
    %get3A_794 = arith.index_cast %add3A_765 : i32 to index
    %get3A_795 = tpu.vector_load %arg6[%get3A_793, %get3A_794] {strides = array<i32>} : memref<64x128xf32, #tpu.memory_space<vmem>>, vector<1x16xf32>,
    %get3A_796 = vector.shape_cast %get3A_795 : vector<1x16xf32> to vector<16xf32>
    %eq3A_797 = arith.constant 2 : i32
    %eq3A_798 = vector.broadcast %eq3A_797 : i32 to vector<16xi32>
    %eq3A_799 = arith.cmpi eq, %iota3A, %eq3A_798 : vector<16xi32>
    %slice3A_800 = vector.extract_strided_slice %get3A_796 {offsets = [2], sizes = [1], strides = [1]} : vector<16xf32> to vector<1xf32>
    %squeeze3A_801 = vector.extract %slice3A_800[0] : f32 from vector<1xf32>
    %broadcast_in_dim3A_802 = vector.broadcast %squeeze3A_801 : f32 to vector<16xf32>
    %select_n3A_803 = arith.select %eq3A_799, %broadcast_in_dim3A_802, %select_n3A_791 : vector<16xi1>, vector<16xf32>
    %get3A_804 = arith.constant 51 : i32
    %get3A_805 = arith.index_cast %get3A_804 : i32 to index
    %get3A_806 = arith.index_cast %add3A_765 : i32 to index
    %get3A_807 = tpu.vector_load %arg6[%get3A_805, %get3A_806] {strides = array<i32>} : memref<64x128xf32, #tpu.memory_space<vmem>>, vector<1x16xf32>,
    %get3A_808 = vector.shape_cast %get3A_807 : vector<1x16xf32> to vector<16xf32>
    %eq3A_809 = arith.constant 3 : i32
    %eq3A_810 = vector.broadcast %eq3A_809 : i32 to vector<16xi32>
    %eq3A_811 = arith.cmpi eq, %iota3A, %eq3A_810 : vector<16xi32>
    %slice3A_812 = vector.extract_strided_slice %get3A_808 {offsets = [3], sizes = [1], strides = [1]} : vector<16xf32> to vector<1xf32>
    %squeeze3A_813 = vector.extract %slice3A_812[0] : f32 from vector<1xf32>
    %broadcast_in_dim3A_814 = vector.broadcast %squeeze3A_813 : f32 to vector<16xf32>
    %select_n3A_815 = arith.select %eq3A_811, %broadcast_in_dim3A_814, %select_n3A_803 : vector<16xi1>, vector<16xf32>
    %get3A_816 = arith.constant 52 : i32
    %get3A_817 = arith.index_cast %get3A_816 : i32 to index
    %get3A_818 = arith.index_cast %add3A_765 : i32 to index
    %get3A_819 = tpu.vector_load %arg6[%get3A_817, %get3A_818] {strides = array<i32>} : memref<64x128xf32, #tpu.memory_space<vmem>>, vector<1x16xf32>,
    %get3A_820 = vector.shape_cast %get3A_819 : vector<1x16xf32> to vector<16xf32>
    %eq3A_821 = arith.constant 4 : i32
    %eq3A_822 = vector.broadcast %eq3A_821 : i32 to vector<16xi32>
    %eq3A_823 = arith.cmpi eq, %iota3A, %eq3A_822 : vector<16xi32>
    %slice3A_824 = vector.extract_strided_slice %get3A_820 {offsets = [4], sizes = [1], strides = [1]} : vector<16xf32> to vector<1xf32>
    %squeeze3A_825 = vector.extract %slice3A_824[0] : f32 from vector<1xf32>
    %broadcast_in_dim3A_826 = vector.broadcast %squeeze3A_825 : f32 to vector<16xf32>
    %select_n3A_827 = arith.select %eq3A_823, %broadcast_in_dim3A_826, %select_n3A_815 : vector<16xi1>, vector<16xf32>
    %get3A_828 = arith.constant 53 : i32
    %get3A_829 = arith.index_cast %get3A_828 : i32 to index
    %get3A_830 = arith.index_cast %add3A_765 : i32 to index
    %get3A_831 = tpu.vector_load %arg6[%get3A_829, %get3A_830] {strides = array<i32>} : memref<64x128xf32, #tpu.memory_space<vmem>>, vector<1x16xf32>,
    %get3A_832 = vector.shape_cast %get3A_831 : vector<1x16xf32> to vector<16xf32>
    %eq3A_833 = arith.constant 5 : i32
    %eq3A_834 = vector.broadcast %eq3A_833 : i32 to vector<16xi32>
    %eq3A_835 = arith.cmpi eq, %iota3A, %eq3A_834 : vector<16xi32>
    %slice3A_836 = vector.extract_strided_slice %get3A_832 {offsets = [5], sizes = [1], strides = [1]} : vector<16xf32> to vector<1xf32>
    %squeeze3A_837 = vector.extract %slice3A_836[0] : f32 from vector<1xf32>
    %broadcast_in_dim3A_838 = vector.broadcast %squeeze3A_837 : f32 to vector<16xf32>
    %select_n3A_839 = arith.select %eq3A_835, %broadcast_in_dim3A_838, %select_n3A_827 : vector<16xi1>, vector<16xf32>
    %get3A_840 = arith.constant 54 : i32
    %get3A_841 = arith.index_cast %get3A_840 : i32 to index
    %get3A_842 = arith.index_cast %add3A_765 : i32 to index
    %get3A_843 = tpu.vector_load %arg6[%get3A_841, %get3A_842] {strides = array<i32>} : memref<64x128xf32, #tpu.memory_space<vmem>>, vector<1x16xf32>,
    %get3A_844 = vector.shape_cast %get3A_843 : vector<1x16xf32> to vector<16xf32>
    %eq3A_845 = arith.constant 6 : i32
    %eq3A_846 = vector.broadcast %eq3A_845 : i32 to vector<16xi32>
    %eq3A_847 = arith.cmpi eq, %iota3A, %eq3A_846 : vector<16xi32>
    %slice3A_848 = vector.extract_strided_slice %get3A_844 {offsets = [6], sizes = [1], strides = [1]} : vector<16xf32> to vector<1xf32>
    %squeeze3A_849 = vector.extract %slice3A_848[0] : f32 from vector<1xf32>
    %broadcast_in_dim3A_850 = vector.broadcast %squeeze3A_849 : f32 to vector<16xf32>
    %select_n3A_851 = arith.select %eq3A_847, %broadcast_in_dim3A_850, %select_n3A_839 : vector<16xi1>, vector<16xf32>
    %get3A_852 = arith.constant 55 : i32
    %get3A_853 = arith.index_cast %get3A_852 : i32 to index
    %get3A_854 = arith.index_cast %add3A_765 : i32 to index
    %get3A_855 = tpu.vector_load %arg6[%get3A_853, %get3A_854] {strides = array<i32>} : memref<64x128xf32, #tpu.memory_space<vmem>>, vector<1x16xf32>,
    %get3A_856 = vector.shape_cast %get3A_855 : vector<1x16xf32> to vector<16xf32>
    %eq3A_857 = arith.constant 7 : i32
    %eq3A_858 = vector.broadcast %eq3A_857 : i32 to vector<16xi32>
    %eq3A_859 = arith.cmpi eq, %iota3A, %eq3A_858 : vector<16xi32>
    %slice3A_860 = vector.extract_strided_slice %get3A_856 {offsets = [7], sizes = [1], strides = [1]} : vector<16xf32> to vector<1xf32>
    %squeeze3A_861 = vector.extract %slice3A_860[0] : f32 from vector<1xf32>
    %broadcast_in_dim3A_862 = vector.broadcast %squeeze3A_861 : f32 to vector<16xf32>
    %select_n3A_863 = arith.select %eq3A_859, %broadcast_in_dim3A_862, %select_n3A_851 : vector<16xi1>, vector<16xf32>
    %get3A_864 = arith.constant 56 : i32
    %get3A_865 = arith.index_cast %get3A_864 : i32 to index
    %get3A_866 = arith.index_cast %add3A_765 : i32 to index
    %get3A_867 = tpu.vector_load %arg6[%get3A_865, %get3A_866] {strides = array<i32>} : memref<64x128xf32, #tpu.memory_space<vmem>>, vector<1x16xf32>,
    %get3A_868 = vector.shape_cast %get3A_867 : vector<1x16xf32> to vector<16xf32>
    %eq3A_869 = arith.constant 8 : i32
    %eq3A_870 = vector.broadcast %eq3A_869 : i32 to vector<16xi32>
    %eq3A_871 = arith.cmpi eq, %iota3A, %eq3A_870 : vector<16xi32>
    %slice3A_872 = vector.extract_strided_slice %get3A_868 {offsets = [8], sizes = [1], strides = [1]} : vector<16xf32> to vector<1xf32>
    %squeeze3A_873 = vector.extract %slice3A_872[0] : f32 from vector<1xf32>
    %broadcast_in_dim3A_874 = vector.broadcast %squeeze3A_873 : f32 to vector<16xf32>
    %select_n3A_875 = arith.select %eq3A_871, %broadcast_in_dim3A_874, %select_n3A_863 : vector<16xi1>, vector<16xf32>
    %get3A_876 = arith.constant 57 : i32
    %get3A_877 = arith.index_cast %get3A_876 : i32 to index
    %get3A_878 = arith.index_cast %add3A_765 : i32 to index
    %get3A_879 = tpu.vector_load %arg6[%get3A_877, %get3A_878] {strides = array<i32>} : memref<64x128xf32, #tpu.memory_space<vmem>>, vector<1x16xf32>,
    %get3A_880 = vector.shape_cast %get3A_879 : vector<1x16xf32> to vector<16xf32>
    %eq3A_881 = arith.constant 9 : i32
    %eq3A_882 = vector.broadcast %eq3A_881 : i32 to vector<16xi32>
    %eq3A_883 = arith.cmpi eq, %iota3A, %eq3A_882 : vector<16xi32>
    %slice3A_884 = vector.extract_strided_slice %get3A_880 {offsets = [9], sizes = [1], strides = [1]} : vector<16xf32> to vector<1xf32>
    %squeeze3A_885 = vector.extract %slice3A_884[0] : f32 from vector<1xf32>
    %broadcast_in_dim3A_886 = vector.broadcast %squeeze3A_885 : f32 to vector<16xf32>
    %select_n3A_887 = arith.select %eq3A_883, %broadcast_in_dim3A_886, %select_n3A_875 : vector<16xi1>, vector<16xf32>
    %get3A_888 = arith.constant 58 : i32
    %get3A_889 = arith.index_cast %get3A_888 : i32 to index
    %get3A_890 = arith.index_cast %add3A_765 : i32 to index
    %get3A_891 = tpu.vector_load %arg6[%get3A_889, %get3A_890] {strides = array<i32>} : memref<64x128xf32, #tpu.memory_space<vmem>>, vector<1x16xf32>,
    %get3A_892 = vector.shape_cast %get3A_891 : vector<1x16xf32> to vector<16xf32>
    %eq3A_893 = arith.constant 10 : i32
    %eq3A_894 = vector.broadcast %eq3A_893 : i32 to vector<16xi32>
    %eq3A_895 = arith.cmpi eq, %iota3A, %eq3A_894 : vector<16xi32>
    %slice3A_896 = vector.extract_strided_slice %get3A_892 {offsets = [10], sizes = [1], strides = [1]} : vector<16xf32> to vector<1xf32>
    %squeeze3A_897 = vector.extract %slice3A_896[0] : f32 from vector<1xf32>
    %broadcast_in_dim3A_898 = vector.broadcast %squeeze3A_897 : f32 to vector<16xf32>
    %select_n3A_899 = arith.select %eq3A_895, %broadcast_in_dim3A_898, %select_n3A_887 : vector<16xi1>, vector<16xf32>
    %get3A_900 = arith.constant 59 : i32
    %get3A_901 = arith.index_cast %get3A_900 : i32 to index
    %get3A_902 = arith.index_cast %add3A_765 : i32 to index
    %get3A_903 = tpu.vector_load %arg6[%get3A_901, %get3A_902] {strides = array<i32>} : memref<64x128xf32, #tpu.memory_space<vmem>>, vector<1x16xf32>,
    %get3A_904 = vector.shape_cast %get3A_903 : vector<1x16xf32> to vector<16xf32>
    %eq3A_905 = arith.constant 11 : i32
    %eq3A_906 = vector.broadcast %eq3A_905 : i32 to vector<16xi32>
    %eq3A_907 = arith.cmpi eq, %iota3A, %eq3A_906 : vector<16xi32>
    %slice3A_908 = vector.extract_strided_slice %get3A_904 {offsets = [11], sizes = [1], strides = [1]} : vector<16xf32> to vector<1xf32>
    %squeeze3A_909 = vector.extract %slice3A_908[0] : f32 from vector<1xf32>
    %broadcast_in_dim3A_910 = vector.broadcast %squeeze3A_909 : f32 to vector<16xf32>
    %select_n3A_911 = arith.select %eq3A_907, %broadcast_in_dim3A_910, %select_n3A_899 : vector<16xi1>, vector<16xf32>
    %get3A_912 = arith.constant 60 : i32
    %get3A_913 = arith.index_cast %get3A_912 : i32 to index
    %get3A_914 = arith.index_cast %add3A_765 : i32 to index
    %get3A_915 = tpu.vector_load %arg6[%get3A_913, %get3A_914] {strides = array<i32>} : memref<64x128xf32, #tpu.memory_space<vmem>>, vector<1x16xf32>,
    %get3A_916 = vector.shape_cast %get3A_915 : vector<1x16xf32> to vector<16xf32>
    %eq3A_917 = arith.constant 12 : i32
    %eq3A_918 = vector.broadcast %eq3A_917 : i32 to vector<16xi32>
    %eq3A_919 = arith.cmpi eq, %iota3A, %eq3A_918 : vector<16xi32>
    %slice3A_920 = vector.extract_strided_slice %get3A_916 {offsets = [12], sizes = [1], strides = [1]} : vector<16xf32> to vector<1xf32>
    %squeeze3A_921 = vector.extract %slice3A_920[0] : f32 from vector<1xf32>
    %broadcast_in_dim3A_922 = vector.broadcast %squeeze3A_921 : f32 to vector<16xf32>
    %select_n3A_923 = arith.select %eq3A_919, %broadcast_in_dim3A_922, %select_n3A_911 : vector<16xi1>, vector<16xf32>
    %get3A_924 = arith.constant 61 : i32
    %get3A_925 = arith.index_cast %get3A_924 : i32 to index
    %get3A_926 = arith.index_cast %add3A_765 : i32 to index
    %get3A_927 = tpu.vector_load %arg6[%get3A_925, %get3A_926] {strides = array<i32>} : memref<64x128xf32, #tpu.memory_space<vmem>>, vector<1x16xf32>,
    %get3A_928 = vector.shape_cast %get3A_927 : vector<1x16xf32> to vector<16xf32>
    %eq3A_929 = arith.constant 13 : i32
    %eq3A_930 = vector.broadcast %eq3A_929 : i32 to vector<16xi32>
    %eq3A_931 = arith.cmpi eq, %iota3A, %eq3A_930 : vector<16xi32>
    %slice3A_932 = vector.extract_strided_slice %get3A_928 {offsets = [13], sizes = [1], strides = [1]} : vector<16xf32> to vector<1xf32>
    %squeeze3A_933 = vector.extract %slice3A_932[0] : f32 from vector<1xf32>
    %broadcast_in_dim3A_934 = vector.broadcast %squeeze3A_933 : f32 to vector<16xf32>
    %select_n3A_935 = arith.select %eq3A_931, %broadcast_in_dim3A_934, %select_n3A_923 : vector<16xi1>, vector<16xf32>
    %get3A_936 = arith.constant 62 : i32
    %get3A_937 = arith.index_cast %get3A_936 : i32 to index
    %get3A_938 = arith.index_cast %add3A_765 : i32 to index
    %get3A_939 = tpu.vector_load %arg6[%get3A_937, %get3A_938] {strides = array<i32>} : memref<64x128xf32, #tpu.memory_space<vmem>>, vector<1x16xf32>,
    %get3A_940 = vector.shape_cast %get3A_939 : vector<1x16xf32> to vector<16xf32>
    %eq3A_941 = arith.constant 14 : i32
    %eq3A_942 = vector.broadcast %eq3A_941 : i32 to vector<16xi32>
    %eq3A_943 = arith.cmpi eq, %iota3A, %eq3A_942 : vector<16xi32>
    %slice3A_944 = vector.extract_strided_slice %get3A_940 {offsets = [14], sizes = [1], strides = [1]} : vector<16xf32> to vector<1xf32>
    %squeeze3A_945 = vector.extract %slice3A_944[0] : f32 from vector<1xf32>
    %broadcast_in_dim3A_946 = vector.broadcast %squeeze3A_945 : f32 to vector<16xf32>
    %select_n3A_947 = arith.select %eq3A_943, %broadcast_in_dim3A_946, %select_n3A_935 : vector<16xi1>, vector<16xf32>
    %get3A_948 = arith.constant 63 : i32
    %get3A_949 = arith.index_cast %get3A_948 : i32 to index
    %get3A_950 = arith.index_cast %add3A_765 : i32 to index
    %get3A_951 = tpu.vector_load %arg6[%get3A_949, %get3A_950] {strides = array<i32>} : memref<64x128xf32, #tpu.memory_space<vmem>>, vector<1x16xf32>,
    %get3A_952 = vector.shape_cast %get3A_951 : vector<1x16xf32> to vector<16xf32>
    %eq3A_953 = arith.constant 15 : i32
    %eq3A_954 = vector.broadcast %eq3A_953 : i32 to vector<16xi32>
    %eq3A_955 = arith.cmpi eq, %iota3A, %eq3A_954 : vector<16xi32>
    %slice3A_956 = vector.extract_strided_slice %get3A_952 {offsets = [15], sizes = [1], strides = [1]} : vector<16xf32> to vector<1xf32>
    %squeeze3A_957 = vector.extract %slice3A_956[0] : f32 from vector<1xf32>
    %broadcast_in_dim3A_958 = vector.broadcast %squeeze3A_957 : f32 to vector<16xf32>
    %select_n3A_959 = arith.select %eq3A_955, %broadcast_in_dim3A_958, %select_n3A_947 : vector<16xi1>, vector<16xf32>
    %add3A_960 = arith.constant 1.000000e-07 : f32
    %add3A_961 = vector.broadcast %add3A_960 : f32 to vector<16xf32>
    %add3A_962 = arith.addf %select_n3A_959, %add3A_961 : vector<16xf32>
    %bitcast_convert_type3A_963 = tpu.bitcast %add3A_962 : vector<16xf32> -> vector<16xi32>
    %shift_right_arithmetic3A_964 = arith.constant 23 : i32
    %shift_right_arithmetic3A_965 = vector.broadcast %shift_right_arithmetic3A_964 : i32 to vector<16xi32>
    %shift_right_arithmetic3A_966 = arith.shrsi %bitcast_convert_type3A_963, %shift_right_arithmetic3A_965 : vector<16xi32>
    %sub3A_967 = arith.constant 127 : i32
    %sub3A_968 = vector.broadcast %sub3A_967 : i32 to vector<16xi32>
    %sub3A_969 = arith.subi %shift_right_arithmetic3A_966, %sub3A_968 : vector<16xi32>
    %and3A_970 = arith.constant 8388607 : i32
    %and3A_971 = vector.broadcast %and3A_970 : i32 to vector<16xi32>
    %and3A_972 = arith.andi %bitcast_convert_type3A_963, %and3A_971 : vector<16xi32>
    %or3A_973 = arith.constant 1065353216 : i32
    %or3A_974 = vector.broadcast %or3A_973 : i32 to vector<16xi32>
    %or3A_975 = arith.ori %and3A_972, %or3A_974 : vector<16xi32>
    %bitcast_convert_type3A_976 = tpu.bitcast %or3A_975 : vector<16xi32> -> vector<16xf32>
    %sub3A_977 = arith.constant 1.000000e+00 : f32
    %sub3A_978 = vector.broadcast %sub3A_977 : f32 to vector<16xf32>
    %sub3A_979 = arith.subf %bitcast_convert_type3A_976, %sub3A_978 : vector<16xf32>
    %add3A_980 = arith.constant 1.000000e+00 : f32
    %add3A_981 = vector.broadcast %add3A_980 : f32 to vector<16xf32>
    %add3A_982 = arith.addf %bitcast_convert_type3A_976, %add3A_981 : vector<16xf32>
    %div3A_983 = arith.divf %sub3A_979, %add3A_982 : vector<16xf32>
    %mul3A_984 = arith.mulf %div3A_983, %div3A_983 : vector<16xf32>
    %mul3A_985 = arith.constant 2.000000e+00 : f32
    %mul3A_986 = vector.broadcast %mul3A_985 : f32 to vector<16xf32>
    %mul3A_987 = arith.mulf %mul3A_986, %div3A_983 : vector<16xf32>
    %mul3A_988 = arith.constant 0.111111112 : f32
    %mul3A_989 = vector.broadcast %mul3A_988 : f32 to vector<16xf32>
    %mul3A_990 = arith.mulf %mul3A_984, %mul3A_989 : vector<16xf32>
    %add3A_991 = arith.constant 0.142857149 : f32
    %add3A_992 = vector.broadcast %add3A_991 : f32 to vector<16xf32>
    %add3A_993 = arith.addf %add3A_992, %mul3A_990 : vector<16xf32>
    %mul3A_994 = arith.mulf %mul3A_984, %add3A_993 : vector<16xf32>
    %add3A_995 = arith.constant 2.000000e-01 : f32
    %add3A_996 = vector.broadcast %add3A_995 : f32 to vector<16xf32>
    %add3A_997 = arith.addf %add3A_996, %mul3A_994 : vector<16xf32>
    %mul3A_998 = arith.mulf %mul3A_984, %add3A_997 : vector<16xf32>
    %add3A_999 = arith.constant 0.333333343 : f32
    %add3A_1000 = vector.broadcast %add3A_999 : f32 to vector<16xf32>
    %add3A_1001 = arith.addf %add3A_1000, %mul3A_998 : vector<16xf32>
    %mul3A_1002 = arith.mulf %mul3A_984, %add3A_1001 : vector<16xf32>
    %add3A_1003 = arith.constant 1.000000e+00 : f32
    %add3A_1004 = vector.broadcast %add3A_1003 : f32 to vector<16xf32>
    %add3A_1005 = arith.addf %add3A_1004, %mul3A_1002 : vector<16xf32>
    %mul3A_1006 = arith.mulf %mul3A_987, %add3A_1005 : vector<16xf32>
    %convert_element_type3A_1007 = arith.sitofp %sub3A_969 : vector<16xi32> to vector<16xf32>
    %mul3A_1008 = arith.constant 0.693147182 : f32
    %mul3A_1009 = vector.broadcast %mul3A_1008 : f32 to vector<16xf32>
    %mul3A_1010 = arith.mulf %convert_element_type3A_1007, %mul3A_1009 : vector<16xf32>
    %add3A_1011 = arith.addf %mul3A_1010, %mul3A_1006 : vector<16xf32>
    %add3A_1012 = arith.addf %add3A_762, %add3A_1011 : vector<16xf32>
    %swap3A = arith.constant 0 : index
    %swap3A_1013 = tpu.vector_load %arg7[%swap3A] {strides = array<i32>} : memref<16xf32, #tpu.memory_space<vmem>>, vector<16xf32>,
    %swap3A_1014 = vector.shape_cast %swap3A_1013 : vector<16xf32> to vector<16xf32>
    %swap3A_1015 = vector.shape_cast %add3A_1012 : vector<16xf32> to vector<16xf32>
    tpu.vector_store %arg7[%swap3A], %swap3A_1015 {strides = array<i32>} : memref<16xf32, #tpu.memory_space<vmem>>, vector<16xf32>,
    %mul3A_1016 = arith.constant 16 : i32
    %mul3A_1017 = arith.muli %arg1, %mul3A_1016 : i32
    "tpu.region"() ({
      %run_scoped3A = tpu.sem_alloc : memref<!tpu.dma_semaphore, #tpu.memory_space<semaphore_mem>>
      %dma_start3A_1022 = tpu.memref_slice %arg9[%mul3A_1017] : memref<256xf32, #tpu.memory_space<vmem_shared>> -> memref<16xf32, #tpu.memory_space<vmem_shared>>
      %dma_start3A_1023 = tpu.memref_slice %arg9[%mul3A_1017] : memref<256xf32, #tpu.memory_space<vmem_shared>> -> memref<16xf32, #tpu.memory_space<vmem_shared>>
      tpu.enqueue_dma source(%arg7 : memref<16xf32, #tpu.memory_space<vmem>>) target(%dma_start3A_1023 : memref<16xf32, #tpu.memory_space<vmem_shared>>) target_semaphore(%run_scoped3A : memref<!tpu.dma_semaphore, #tpu.memory_space<semaphore_mem>>)
      %dma_wait3A_1024 = tpu.memref_slice %arg9[%mul3A_1017] : memref<256xf32, #tpu.memory_space<vmem_shared>> -> memref<16xf32, #tpu.memory_space<vmem_shared>>
      %dma_wait3A_1025 = tpu.memref_slice %arg9[%mul3A_1017] : memref<256xf32, #tpu.memory_space<vmem_shared>> -> memref<16xf32, #tpu.memory_space<vmem_shared>>
      tpu.wait_dma2 semaphore(%run_scoped3A : memref<!tpu.dma_semaphore, #tpu.memory_space<semaphore_mem>>) src(%arg7 : memref<16xf32, #tpu.memory_space<vmem>>) dst(%dma_wait3A_1025 : memref<16xf32, #tpu.memory_space<vmem_shared>>)
      tpu.yield
    }) : () -> ()
    %barrier3A = arith.constant 0 : index
    tpu.barrier barrier_id(%barrier3A)
    %eq3A_1018 = arith.constant 0 : i32
    %eq3A_1019 = arith.cmpi eq, %arg1, %eq3A_1018 : i32
    %convert_element_type3A_1020 = arith.extui %eq3A_1019 : i1 to i32
    %cond3A = arith.constant 0 : i32
    %cond3A_1021 = arith.cmpi ne, %convert_element_type3A_1020, %cond3A : i32
    scf.if %cond3A_1021 {
      "tpu.region"() ({
        %run_scoped3A = tpu.sem_alloc : memref<!tpu.dma_semaphore, #tpu.memory_space<semaphore_mem>>
        tpu.enqueue_dma source(%arg9 : memref<256xf32, #tpu.memory_space<vmem_shared>>) target(%arg8 : memref<256xf32, #tpu.memory_space<vmem>>) target_semaphore(%run_scoped3A : memref<!tpu.dma_semaphore, #tpu.memory_space<semaphore_mem>>)
        tpu.wait_dma2 semaphore(%run_scoped3A : memref<!tpu.dma_semaphore, #tpu.memory_space<semaphore_mem>>) src(%arg9 : memref<256xf32, #tpu.memory_space<vmem_shared>>) dst(%arg8 : memref<256xf32, #tpu.memory_space<vmem>>)
        tpu.yield
      }) : () -> ()
      %broadcast_in_dim3A_1022 = arith.constant 0.000000e+00 : f32
      %broadcast_in_dim3A_1023 = vector.broadcast %broadcast_in_dim3A_1022 : f32 to vector<16xf32>
      %get3A_1024 = arith.constant 0 : index
      %get3A_1025 = tpu.vector_load %arg8[%get3A_1024] {strides = array<i32>} : memref<256xf32, #tpu.memory_space<vmem>>, vector<16xf32>,
      %get3A_1026 = vector.shape_cast %get3A_1025 : vector<16xf32> to vector<16xf32>
      %add3A_1027 = arith.addf %broadcast_in_dim3A_1023, %get3A_1026 : vector<16xf32>
      %get3A_1028 = arith.constant 16 : index
      %get3A_1029 = tpu.vector_load %arg8[%get3A_1028] {strides = array<i32>} : memref<256xf32, #tpu.memory_space<vmem>>, vector<16xf32>,
      %get3A_1030 = vector.shape_cast %get3A_1029 : vector<16xf32> to vector<16xf32>
      %add3A_1031 = arith.addf %add3A_1027, %get3A_1030 : vector<16xf32>
      %get3A_1032 = arith.constant 32 : index
      %get3A_1033 = tpu.vector_load %arg8[%get3A_1032] {strides = array<i32>} : memref<256xf32, #tpu.memory_space<vmem>>, vector<16xf32>,
      %get3A_1034 = vector.shape_cast %get3A_1033 : vector<16xf32> to vector<16xf32>
      %add3A_1035 = arith.addf %add3A_1031, %get3A_1034 : vector<16xf32>
      %get3A_1036 = arith.constant 48 : index
      %get3A_1037 = tpu.vector_load %arg8[%get3A_1036] {strides = array<i32>} : memref<256xf32, #tpu.memory_space<vmem>>, vector<16xf32>,
      %get3A_1038 = vector.shape_cast %get3A_1037 : vector<16xf32> to vector<16xf32>
      %add3A_1039 = arith.addf %add3A_1035, %get3A_1038 : vector<16xf32>
      %get3A_1040 = arith.constant 64 : index
      %get3A_1041 = tpu.vector_load %arg8[%get3A_1040] {strides = array<i32>} : memref<256xf32, #tpu.memory_space<vmem>>, vector<16xf32>,
      %get3A_1042 = vector.shape_cast %get3A_1041 : vector<16xf32> to vector<16xf32>
      %add3A_1043 = arith.addf %add3A_1039, %get3A_1042 : vector<16xf32>
      %get3A_1044 = arith.constant 80 : index
      %get3A_1045 = tpu.vector_load %arg8[%get3A_1044] {strides = array<i32>} : memref<256xf32, #tpu.memory_space<vmem>>, vector<16xf32>,
      %get3A_1046 = vector.shape_cast %get3A_1045 : vector<16xf32> to vector<16xf32>
      %add3A_1047 = arith.addf %add3A_1043, %get3A_1046 : vector<16xf32>
      %get3A_1048 = arith.constant 96 : index
      %get3A_1049 = tpu.vector_load %arg8[%get3A_1048] {strides = array<i32>} : memref<256xf32, #tpu.memory_space<vmem>>, vector<16xf32>,
      %get3A_1050 = vector.shape_cast %get3A_1049 : vector<16xf32> to vector<16xf32>
      %add3A_1051 = arith.addf %add3A_1047, %get3A_1050 : vector<16xf32>
      %get3A_1052 = arith.constant 112 : index
      %get3A_1053 = tpu.vector_load %arg8[%get3A_1052] {strides = array<i32>} : memref<256xf32, #tpu.memory_space<vmem>>, vector<16xf32>,
      %get3A_1054 = vector.shape_cast %get3A_1053 : vector<16xf32> to vector<16xf32>
      %add3A_1055 = arith.addf %add3A_1051, %get3A_1054 : vector<16xf32>
      %get3A_1056 = arith.constant 128 : index
      %get3A_1057 = tpu.vector_load %arg8[%get3A_1056] {strides = array<i32>} : memref<256xf32, #tpu.memory_space<vmem>>, vector<16xf32>,
      %get3A_1058 = vector.shape_cast %get3A_1057 : vector<16xf32> to vector<16xf32>
      %add3A_1059 = arith.addf %add3A_1055, %get3A_1058 : vector<16xf32>
      %get3A_1060 = arith.constant 144 : index
      %get3A_1061 = tpu.vector_load %arg8[%get3A_1060] {strides = array<i32>} : memref<256xf32, #tpu.memory_space<vmem>>, vector<16xf32>,
      %get3A_1062 = vector.shape_cast %get3A_1061 : vector<16xf32> to vector<16xf32>
      %add3A_1063 = arith.addf %add3A_1059, %get3A_1062 : vector<16xf32>
      %get3A_1064 = arith.constant 160 : index
      %get3A_1065 = tpu.vector_load %arg8[%get3A_1064] {strides = array<i32>} : memref<256xf32, #tpu.memory_space<vmem>>, vector<16xf32>,
      %get3A_1066 = vector.shape_cast %get3A_1065 : vector<16xf32> to vector<16xf32>
      %add3A_1067 = arith.addf %add3A_1063, %get3A_1066 : vector<16xf32>
      %get3A_1068 = arith.constant 176 : index
      %get3A_1069 = tpu.vector_load %arg8[%get3A_1068] {strides = array<i32>} : memref<256xf32, #tpu.memory_space<vmem>>, vector<16xf32>,
      %get3A_1070 = vector.shape_cast %get3A_1069 : vector<16xf32> to vector<16xf32>
      %add3A_1071 = arith.addf %add3A_1067, %get3A_1070 : vector<16xf32>
      %get3A_1072 = arith.constant 192 : index
      %get3A_1073 = tpu.vector_load %arg8[%get3A_1072] {strides = array<i32>} : memref<256xf32, #tpu.memory_space<vmem>>, vector<16xf32>,
      %get3A_1074 = vector.shape_cast %get3A_1073 : vector<16xf32> to vector<16xf32>
      %add3A_1075 = arith.addf %add3A_1071, %get3A_1074 : vector<16xf32>
      %get3A_1076 = arith.constant 208 : index
      %get3A_1077 = tpu.vector_load %arg8[%get3A_1076] {strides = array<i32>} : memref<256xf32, #tpu.memory_space<vmem>>, vector<16xf32>,
      %get3A_1078 = vector.shape_cast %get3A_1077 : vector<16xf32> to vector<16xf32>
      %add3A_1079 = arith.addf %add3A_1075, %get3A_1078 : vector<16xf32>
      %get3A_1080 = arith.constant 224 : index
      %get3A_1081 = tpu.vector_load %arg8[%get3A_1080] {strides = array<i32>} : memref<256xf32, #tpu.memory_space<vmem>>, vector<16xf32>,
      %get3A_1082 = vector.shape_cast %get3A_1081 : vector<16xf32> to vector<16xf32>
      %add3A_1083 = arith.addf %add3A_1079, %get3A_1082 : vector<16xf32>
      %get3A_1084 = arith.constant 240 : index
      %get3A_1085 = tpu.vector_load %arg8[%get3A_1084] {strides = array<i32>} : memref<256xf32, #tpu.memory_space<vmem>>, vector<16xf32>,
      %get3A_1086 = vector.shape_cast %get3A_1085 : vector<16xf32> to vector<16xf32>
      %add3A_1087 = arith.addf %add3A_1083, %get3A_1086 : vector<16xf32>
      %slice3A_1088 = vector.extract_strided_slice %add3A_1087 {offsets = [0], sizes = [1], strides = [1]} : vector<16xf32> to vector<1xf32>
      %squeeze3A_1089 = vector.extract %slice3A_1088[0] : f32 from vector<1xf32>
      %slice3A_1090 = vector.extract_strided_slice %add3A_1087 {offsets = [1], sizes = [1], strides = [1]} : vector<16xf32> to vector<1xf32>
      %squeeze3A_1091 = vector.extract %slice3A_1090[0] : f32 from vector<1xf32>
      %add3A_1092 = arith.addf %squeeze3A_1089, %squeeze3A_1091 : f32
      %slice3A_1093 = vector.extract_strided_slice %add3A_1087 {offsets = [2], sizes = [1], strides = [1]} : vector<16xf32> to vector<1xf32>
      %squeeze3A_1094 = vector.extract %slice3A_1093[0] : f32 from vector<1xf32>
      %add3A_1095 = arith.addf %add3A_1092, %squeeze3A_1094 : f32
      %slice3A_1096 = vector.extract_strided_slice %add3A_1087 {offsets = [3], sizes = [1], strides = [1]} : vector<16xf32> to vector<1xf32>
      %squeeze3A_1097 = vector.extract %slice3A_1096[0] : f32 from vector<1xf32>
      %add3A_1098 = arith.addf %add3A_1095, %squeeze3A_1097 : f32
      %slice3A_1099 = vector.extract_strided_slice %add3A_1087 {offsets = [4], sizes = [1], strides = [1]} : vector<16xf32> to vector<1xf32>
      %squeeze3A_1100 = vector.extract %slice3A_1099[0] : f32 from vector<1xf32>
      %add3A_1101 = arith.addf %add3A_1098, %squeeze3A_1100 : f32
      %slice3A_1102 = vector.extract_strided_slice %add3A_1087 {offsets = [5], sizes = [1], strides = [1]} : vector<16xf32> to vector<1xf32>
      %squeeze3A_1103 = vector.extract %slice3A_1102[0] : f32 from vector<1xf32>
      %add3A_1104 = arith.addf %add3A_1101, %squeeze3A_1103 : f32
      %slice3A_1105 = vector.extract_strided_slice %add3A_1087 {offsets = [6], sizes = [1], strides = [1]} : vector<16xf32> to vector<1xf32>
      %squeeze3A_1106 = vector.extract %slice3A_1105[0] : f32 from vector<1xf32>
      %add3A_1107 = arith.addf %add3A_1104, %squeeze3A_1106 : f32
      %slice3A_1108 = vector.extract_strided_slice %add3A_1087 {offsets = [7], sizes = [1], strides = [1]} : vector<16xf32> to vector<1xf32>
      %squeeze3A_1109 = vector.extract %slice3A_1108[0] : f32 from vector<1xf32>
      %add3A_1110 = arith.addf %add3A_1107, %squeeze3A_1109 : f32
      %slice3A_1111 = vector.extract_strided_slice %add3A_1087 {offsets = [8], sizes = [1], strides = [1]} : vector<16xf32> to vector<1xf32>
      %squeeze3A_1112 = vector.extract %slice3A_1111[0] : f32 from vector<1xf32>
      %add3A_1113 = arith.addf %add3A_1110, %squeeze3A_1112 : f32
      %slice3A_1114 = vector.extract_strided_slice %add3A_1087 {offsets = [9], sizes = [1], strides = [1]} : vector<16xf32> to vector<1xf32>
      %squeeze3A_1115 = vector.extract %slice3A_1114[0] : f32 from vector<1xf32>
      %add3A_1116 = arith.addf %add3A_1113, %squeeze3A_1115 : f32
      %slice3A_1117 = vector.extract_strided_slice %add3A_1087 {offsets = [10], sizes = [1], strides = [1]} : vector<16xf32> to vector<1xf32>
      %squeeze3A_1118 = vector.extract %slice3A_1117[0] : f32 from vector<1xf32>
      %add3A_1119 = arith.addf %add3A_1116, %squeeze3A_1118 : f32
      %slice3A_1120 = vector.extract_strided_slice %add3A_1087 {offsets = [11], sizes = [1], strides = [1]} : vector<16xf32> to vector<1xf32>
      %squeeze3A_1121 = vector.extract %slice3A_1120[0] : f32 from vector<1xf32>
      %add3A_1122 = arith.addf %add3A_1119, %squeeze3A_1121 : f32
      %slice3A_1123 = vector.extract_strided_slice %add3A_1087 {offsets = [12], sizes = [1], strides = [1]} : vector<16xf32> to vector<1xf32>
      %squeeze3A_1124 = vector.extract %slice3A_1123[0] : f32 from vector<1xf32>
      %add3A_1125 = arith.addf %add3A_1122, %squeeze3A_1124 : f32
      %slice3A_1126 = vector.extract_strided_slice %add3A_1087 {offsets = [13], sizes = [1], strides = [1]} : vector<16xf32> to vector<1xf32>
      %squeeze3A_1127 = vector.extract %slice3A_1126[0] : f32 from vector<1xf32>
      %add3A_1128 = arith.addf %add3A_1125, %squeeze3A_1127 : f32
      %slice3A_1129 = vector.extract_strided_slice %add3A_1087 {offsets = [14], sizes = [1], strides = [1]} : vector<16xf32> to vector<1xf32>
      %squeeze3A_1130 = vector.extract %slice3A_1129[0] : f32 from vector<1xf32>
      %add3A_1131 = arith.addf %add3A_1128, %squeeze3A_1130 : f32
      %slice3A_1132 = vector.extract_strided_slice %add3A_1087 {offsets = [15], sizes = [1], strides = [1]} : vector<16xf32> to vector<1xf32>
      %squeeze3A_1133 = vector.extract %slice3A_1132[0] : f32 from vector<1xf32>
      %add3A_1134 = arith.addf %add3A_1131, %squeeze3A_1133 : f32
      %ge3A = arith.constant 0 : i32
      %ge3A_1135 = vector.broadcast %ge3A : i32 to vector<16xi32>
      %ge3A_1136 = arith.cmpi sge, %iota3A, %ge3A_1135 : vector<16xi32>
      %jit3A_1137 = arith.constant 0.000000e+00 : f32
      %broadcast_in_dim3A_1138 = vector.broadcast %add3A_1134 : f32 to vector<16xf32>
      %broadcast_in_dim3A_1139 = vector.broadcast %jit3A_1137 : f32 to vector<16xf32>
      %select_n3A_1140 = arith.select %ge3A_1136, %broadcast_in_dim3A_1138, %broadcast_in_dim3A_1139 : vector<16xi1>, vector<16xf32>
      %mul3A_1141 = arith.constant -9.765625E-4 : f32
      %mul3A_1142 = vector.broadcast %mul3A_1141 : f32 to vector<16xf32>
      %mul3A_1143 = arith.mulf %select_n3A_1140, %mul3A_1142 : vector<16xf32>
      %swap3A_1144 = arith.constant 0 : index
      %swap3A_1145 = tpu.vector_load %arg7[%swap3A_1144] {strides = array<i32>} : memref<16xf32, #tpu.memory_space<vmem>>, vector<16xf32>,
      %swap3A_1146 = vector.shape_cast %swap3A_1145 : vector<16xf32> to vector<16xf32>
      %swap3A_1147 = vector.shape_cast %mul3A_1143 : vector<16xf32> to vector<16xf32>
      tpu.vector_store %arg7[%swap3A_1144], %swap3A_1147 {strides = array<i32>} : memref<16xf32, #tpu.memory_space<vmem>>, vector<16xf32>,
      "tpu.region"() ({
        %run_scoped3A = tpu.sem_alloc : memref<!tpu.dma_semaphore, #tpu.memory_space<semaphore_mem>>
        tpu.enqueue_dma source(%arg7 : memref<16xf32, #tpu.memory_space<vmem>>) target(%arg4 : memref<16xf32, #tpu.memory_space<hbm>>) target_semaphore(%run_scoped3A : memref<!tpu.dma_semaphore, #tpu.memory_space<semaphore_mem>>)
        tpu.wait_dma2 semaphore(%run_scoped3A : memref<!tpu.dma_semaphore, #tpu.memory_space<semaphore_mem>>) src(%arg7 : memref<16xf32, #tpu.memory_space<vmem>>) dst(%arg4 : memref<16xf32, #tpu.memory_space<hbm>>)
        tpu.yield
      }) : () -> ()
    } else {
    }
    return
  }
}

</mosaic_0001>

<sc_bundles>
// kernel: kernel.3.cloned.1.call-start
scs
__scs_entry_jumppad:
0x0: {  	(pc) =	sbr.rel $0x88, $3  }
0x1: {  	(tag) =	ssettag $0x0;
	lr =	simm.s32 $0x1  }
0x2: {  	[smem:$0x3F9F] =	sst lr;
	_ =	strace $0xD0000000  }
0x3: {  	_ = 	snop  }
0x4: {  	_ = 	snop  }
0x5: {  	_ = 	snop  }
0x6: {  	_ = 	snop  }
0x7: {  	_ = 	snop  }
__scs_overlays_trampoline_lowered:
0x8: {  	[smem:$0x3FAE] =	sst s0  }
0x9: {  	[smem:$0x3FAF] =	sst s1  }
0xa: {  	[smem:$0x3FB0] =	sst s2  }
0xb: {  	[smem:$0x3FB1] =	sst s3  }
0xc: {  	[smem:$0x3FB2] =	sst s4  }
0xd: {  	[smem:$0x3FB3] =	sst s5  }
0xe: {  	[smem:$0x3FB4] =	sst s6  }
0xf: {  	[smem:$0x3FB5] =	sst s7  }
0x10: {  	[smem:$0x3FB6] =	sst s8  }
0x11: {  	[smem:$0x3FB7] =	sst s9;
	s0 =	simm.s32 @!p0 $0x0  }
0x12: {  	s1 =	sld [smem:$0x3F9D];
	s0 =	simm.s32 @p0 $0x1  }
0x13: {  	[smem:$0x3FB8] =	sst s0;
	s0 =	simm.s32 @!p1 $0x0  }
0x14: {  	s2 =	sld [smem:$0x3F9C];
	s0 =	simm.s32 @p1 $0x1  }
0x15: {  	[smem:$0x3FB9] =	sst s0;
	s0 =	simm.s32 @!p2 $0x0  }
0x16: {  	s3 =	sld [smem:$0x3FDB];
	s0 =	simm.s32 @p2 $0x1  }
0x17: {  	s4 =	simm.s32 $0x1BF5;
	[smem:$0x3FBB] =	sst s0  }
0x18: {  	s0 =	sld [smem:$0x3F9E];
	_ =	swait.ge [sflag:s4], $0x0  }
0x19: {  	s7 =	sld [smem:$0x3F9F]  }
0x1a: {  	s8 =	sadd.s32 $0xFFFFE003, lr  }
0x1b: {  	s9 =	sadd.s32 $0xFFFFFEF7, lr;
	s5 =	simm.s32 $0xFFFFFFFF;
	p2 =	slt.u32 s8, $0xFFFFF086  }
0x1c: {  	p1 =	slt.u32 s9, $0xF7A;
	s5 =	simm.s32 @!p2 $0x0  }
0x1d: {  	s5 =	simm.s32 @p1 $0x1;
	p0 =	seq.s32 s7, s2  }
0x1e: {  	s7 =	smul.u32 @!p0 $0xF7A, s2;
	p2 =	seq.s32 @!p0 s5, $0x0  }
0x1f: {  	s9 =	smul.u32 $0xF7A, s1;
	s8 =	simm.s32 @!p0 $0x1BF5;
	p2 =	por !p2, p0  }
0x20: {  	[sflag:s8] =	ssyncset.s32 @!p0 $0xFFFFF086;
	s6 =	sadd.s32 @!p0 s3, s7;
	s7 =	simm.s32 @!p0 $0x108  }
0x21: {  	s3 =	sadd.s32 s3, s9;
	s6 =	sadd.s32 @!p0 $0x88, s6;
	s7 =	simm.s32 @p2 $0x1082  }
0x22: {  	[simem:s7], [sflag:s8] =	dma.local @!p0 [hbm:s6], $0xF7A  }
0x23: {  	s9 =	sor.u32 $0xD0000000, s2;
	s6 =	simm.s32 $0x108;
	_ =	swait.ge @!p0 [sflag:s8], $0x0  }
0x24: {  	s3 =	sadd.s32 $0x88, s3;
	s6 =	simm.s32 @!p1 $0x1082;
	[sflag:s4] =	ssyncset.s32 $0xFFFFF086  }
0x25: {  	[simem:s6], [sflag:s4] =	dma.local [hbm:s3], $0xF7A  }
0x26: {  	[smem:$0x3F9F] =	sst s1;
	(tag) =	ssettag s2;
	_ =	strace s9  }
0x27: {  	s1 =	sld [smem:$0x3FAF]  }
0x28: {  	s2 =	sld [smem:$0x3FB0]  }
0x29: {  	s4 =	sld [smem:$0x3FB2]  }
0x2a: {  	p0 =	seq.s32 s5, $0x0;
	s5 =	sld [smem:$0x3FB3]  }
0x2b: {  	s6 =	sld [smem:$0x3FB4]  }
0x2c: {  	s7 =	sld [smem:$0x3FB5]  }
0x2d: {  	s3 =	simm.s32 $0x108;
	s8 =	sld [smem:$0x3FB6]  }
0x2e: {  	s3 =	simm.s32 @!p0 $0x1082;
	s9 =	sld [smem:$0x3FB7]  }
0x2f: {  	lr =	sadd.s32 s0, s3;
	s0 =	sld [smem:$0x3FAE]  }
0x30: {  	s3 =	sld [smem:$0x3FB1]  }
0x31: {  	[smem:$0x3FBA] =	sst s10  }
0x32: {  	s10 =	sld [smem:$0x3FB8];
	_ =	sdelay $0x3  }
0x33: {  	p0 =	seq.s32 s10, $0x1;
	s10 =	sld [smem:$0x3FBA];
	_ =	sdelay $0x3  }
0x34: {  	[smem:$0x3FBA] =	sst s10  }
0x35: {  	s10 =	sld [smem:$0x3FB9];
	_ =	sdelay $0x3  }
0x36: {  	p1 =	seq.s32 s10, $0x1;
	s10 =	sld [smem:$0x3FBA];
	_ =	sdelay $0x3  }
0x37: {  	[smem:$0x3FBA] =	sst s10  }
0x38: {  	s10 =	sld [smem:$0x3FBB]  }
0x39: {  	_ = 	snop;
	(pc) =	sbr.ind lr, $3  }
0x3a: {  	_ = 	snop  }
0x3b: {  	_ = 	snop  }
0x3c: {  	p2 =	seq.s32 s10, $0x1;
	s10 =	sld [smem:$0x3FBA]  }
0x3d: {  	_ =	shalt  }
0x3e: {  	_ =	shalt  }
0x3f: {  	_ =	shalt  }
0x40: {  	_ =	shalt  }
0x41: {  	_ =	shalt  }
0x42: {  	_ =	shalt  }
0x43: {  	_ =	shalt  }
0x44: {  	_ =	shalt  }
0x45: {  	_ =	shalt  }
0x46: {  	_ =	shalt  }
0x47: {  	_ =	shalt  }
0x48: {  	_ =	shalt  }
0x49: {  	_ =	shalt  }
0x4a: {  	_ =	shalt  }
0x4b: {  	_ =	shalt  }
0x4c: {  	_ =	shalt  }
0x4d: {  	_ =	shalt  }
0x4e: {  	_ =	shalt  }
0x4f: {  	_ =	shalt  }
0x50: {  	_ =	shalt  }
0x51: {  	_ =	shalt  }
0x52: {  	_ =	shalt  }
0x53: {  	_ =	shalt  }
0x54: {  	_ =	shalt  }
0x55: {  	_ =	shalt  }
0x56: {  	_ =	shalt  }
0x57: {  	_ =	shalt  }
0x58: {  	_ =	shalt  }
0x59: {  	_ =	shalt  }
0x5a: {  	_ =	shalt  }
0x5b: {  	_ =	shalt  }
0x5c: {  	_ =	shalt  }
0x5d: {  	_ =	shalt  }
0x5e: {  	_ =	shalt  }
0x5f: {  	_ =	shalt  }
0x60: {  	_ =	shalt  }
0x61: {  	_ =	shalt  }
0x62: {  	_ =	shalt  }
0x63: {  	_ =	shalt  }
0x64: {  	_ =	shalt  }
0x65: {  	_ =	shalt  }
0x66: {  	_ =	shalt  }
0x67: {  	_ =	shalt  }
0x68: {  	_ =	shalt  }
0x69: {  	_ =	shalt  }
0x6a: {  	_ =	shalt  }
0x6b: {  	_ =	shalt  }
0x6c: {  	_ =	shalt  }
0x6d: {  	_ =	shalt  }
0x6e: {  	_ =	shalt  }
0x6f: {  	_ =	shalt  }
0x70: {  	_ =	shalt  }
0x71: {  	_ =	shalt  }
0x72: {  	_ =	shalt  }
0x73: {  	_ =	shalt  }
0x74: {  	_ =	shalt  }
0x75: {  	_ =	shalt  }
0x76: {  	_ =	shalt  }
0x77: {  	_ =	shalt  }
0x78: {  	_ =	shalt  }
0x79: {  	_ =	shalt  }
0x7a: {  	_ =	shalt  }
0x7b: {  	_ =	shalt  }
0x7c: {  	_ =	shalt  }
0x7d: {  	_ =	shalt  }
0x7e: {  	_ =	shalt  }
0x7f: {  	_ =	shalt  }
0x80: {  	_ =	shalt  }
0x81: {  	_ =	shalt  }
0x82: {  	_ =	shalt  }
0x83: {  	_ =	shalt  }
0x84: {  	_ =	shalt  }
0x85: {  	_ =	shalt  }
0x86: {  	_ =	shalt  }
0x87: {  	_ =	shalt  }
.Lfunc_end0:
.L_simem_size_0:
called_computation_lowered:
.L_overlay_start_0:
0x88: {  	s0 =	sld [smem:$0x3FD9]  }
0x89: {  	s1 =	sld [smem:$0x3FFE];
	_ =	sdelay $0x3  }
0x8a: {  	s0 =	sadd.s32 s1, s0  }
0x8b: {  	[smem:$0x3FC6] =	sst s0  }
0x8c: {  	_ = 	snop  }
0x8d: {  	s0 =	sld [smem:$0x3FC9]  }
0x8e: {  	s17 =	sld [smem:$0x3FC8]  }
0x8f: {  	s2 =	sld [smem:$0x3FD0];
	(tm) =	ssettm $0x1  }
0x90: {  	s3 =	sld [smem:$0x3FFB];
	_ =	sdelay $0x3  }
0x91: {  	_ =	strace s3  }
0x92: {  	s3 =	sld [smem:$0x3FFC];
	_ =	sdelay $0x3  }
0x93: {  	_ =	strace s3  }
0x94: {  	s3 =	sld [smem:$0x3FFD];
	_ =	sdelay $0x3  }
0x95: {  	_ =	strace s3  }
0x96: {  	_ =	strace $0x8FFFFFFF  }
0x97: {  	s18 =	sld [smem:$0x3FDB];
	_ =	sdelay $0x1  }
0x98: {  	s4 =	simm.s32 $_scs_section_size  }
0x99: {  	s5 =	simm.s32 $_size__tile_overlayer_lowered;
	s6 =	simm.s32 $_tile_overlayer_lowered  }
0x9a: {  	s21 =	simm.s32 $0x1BFF;
	s20 =	sshll.u32 s6, $0x1;
	s3 =	sadd.s32 s4, s18  }
0x9b: {  	s7 =	simm.s32 $0x0;
	s19 =	sshll.u32 s5, $0x1;
	s5 =	sadd.s32 s20, s3  }
0x9c: {  	[timem:s7], [sflag:s21] =	dma.local [hbm:s5], s19  }
0x9d: {  	_ =	swait.ge [sflag:s21], s19  }
0x9e: {  	s4 =	ssub.s32 $0x0, s19;
	[sflag:s21] =	ssyncset.done $0x0  }
0x9f: {  	[sflag:s21] =	ssyncadd.s32 s4;
	_ =	sdelay $0x1  }
0xa0: {  	s22 =	simm.s32 $0x1B8B  }
0xa1: {  	_ =	swait.ge [sflag:s22], $0x1  }
0xa2: {  	[sflag:s22] =	ssyncset.done $0x0  }
0xa3: {  	s23 =	simm.s32 $0x1B8E;
	[sflag:s22] =	ssyncadd.s32 $0xFFFFFFFF  }
0xa4: {  	s24 =	simm.s32 $execute0_lowered;
	[smem:$0x3FD2] =	sst s23  }
0xa5: {  	s4 =	sshll.u32 s24, $0x1;
	_ =	strace $0x80000046;
	[dreg:$0x1] =	wrdreg $0xFFFFFFFF  }
0xa6: {  	s25 =	simm.s32 $_size_execute0_lowered;
	s3 =	sadd.s32 s3, s4;
	[dreg:$0x0] =	wrdreg $0x0  }
0xa7: {  	s4 =	sshll.u32 s25, $0x1;
	[dreg:$0x2] =	wrdreg s3  }
0xa8: {  	[dreg:$0x3] =	wrdreg s4  }
0xa9: {  	[dreg:$0x4] =	wrdreg $0xC0  }
0xaa: {  	_ =	task [dreg:s7], $0x5FFFF  }
0xab: {  	[dreg:$0x1] =	wrdreg $0xFFFFFFFF  }
0xac: {  	[dreg:$0x0] =	wrdreg $0x60  }
0xad: {  	[dreg:$0x2] =	wrdreg s0  }
0xae: {  	[dreg:$0x3] =	wrdreg s17  }
0xaf: {  	[dreg:$0x4] =	wrdreg s2  }
0xb0: {  	[dreg:$0x5] =	wrdreg $0x22000  }
0xb1: {  	[dreg:$0x6] =	wrdreg $0x9  }
0xb2: {  	_ =	task.clear_ibuf [dreg:s7], $0x7FFFF;
	_ =	strace $0x90000046  }
0xb3: {  	s26 =	simm.s32 $0x9;
	_ =	strace $0x80000048  }
0xb4: {  	_ =	swait.ge [sflag:s26], $0x1  }
0xb5: {  	[sflag:s26] =	ssyncadd.s32 $0xFFFFFFFF  }
0xb6: {  	_ =	strace $0x90000048  }
0xb7: {  	_ =	sfence  }
0xb8: {  	s28 =	sld [smem:$0x0];
	_ =	sdelay $0x1  }
0xb9: {  	s29 =	srdreg.scid  }
0xba: {  	s30 =	sshll.u32 s29, $0xD;
	s31 =	sshrl.u32 s29, $0x2  }
0xbb: {  	s1 =	sand.u32 $0x1, s29;
	s2 =	sand.u32 $0x4000, s30;
	s0 =	sadd.s32 s31, s28  }
0xbc: {  	s1 =	sor.u32 s2, s1;
	s0 =	sshll.u32 s0, $0x11  }
0xbd: {  	s0 =	sor.u32 s0, s1  }
0xbe: {  	s0 =	sadd.s32 $0x8F2B, s0  }
0xbf: {  	[sflag:s0] =	ssyncadd.remote.s32 $0x1  }
0xc0: {  	_ =	sfence.sel $0xFFFF  }
0xc1: {  	[dreg:$0x0] =	wrdreg $0xFFFFFFFF;
	(pc) =	sbr.abs _section_cstart, $3  }
0xc2: {  	[dreg:$0x1] =	wrdreg $0xFFFFFFFF  }
0xc3: {  	_ =	task.clear_ibuf [dreg:s7], $0x2FFFF;
	_ =	strace $0x9FFFFFFF  }
0xc4: {  	(tm) =	ssettm $0x7FFFFFFF  }
0xc5: {  	_ =	shalt  }
tec
execute0_lowered:
.L_overlay_start_1:
0x0: {  	(tag) =	ssettag $0x1  }
0x1: {  	s3 =	rddreg [dreg:$0x0]  }
0x2: {  	s7 =	rddreg [dreg:$0x1]  }
0x3: {  	s1 =	rddreg [dreg:$0x2]  }
0x4: {  	s4 =	rddreg [dreg:$0x3];
	s2 =	simm.s32 $0x0;
	s5 =	stileid.u32  }
0x5: {  	[smem:$0x7FF] =	sst s2;
	s6 =	sshll.u32 s5, $0x3  }
0x6: {  	s0 =	rddreg [dreg:$0x4];
	_ =	strace $0x80000047;
	s3 =	sadd.s32 s3, s6  }
0x7: {  	[tilespmem:s2], [sflag:$0x2] =	stream.linear.gather [hbm4b:s3+s2], $0x40, $0x38;
	[tilespmem:$0x2210] =	vst v63  }
0x8: {  	s3 =	simm.s32 $0x2  }
0x9: {  	_ =	swait.ge [sflag:s3], $0x40  }
0xa: {  	[sflag:s3] =	ssyncset.done $0x0  }
0xb: {  	[sflag:s3] =	ssyncadd.s32 $0xFFFFFFC0  }
0xc: {  	v0 =	vld [tilespmem:$0x0];
	_ =	sdelay $0x4  }
0xd: {  	v1 =	vshll.u32 v0, $0x3  }
0xe: {  	v0 =	vand.u32 $0x7, v0;
	v1 =	vand.u32 $0xFFFFFFC0, v1  }
0xf: {  	v48 =	vlaneseq.u32;
	v17 =	vor.u32 v0, v1;
	v1 =	vimm.s32 $0x0  }
0x10: {  	v0 =	vmul.u32 $0x8, v48;
	v3 =	vperm.xlane v17, v1  }
0x11: {  	v2 =	vimm.s32 $0x1  }
0x12: {  	v4 =	vperm.xlane v17, v2;
	v5 =	vadd.s32 v0, v3  }
0x13: {  	v3 =	vimm.s32 $0x2  }
0x14: {  	s6 =	sshll.u32 s5, $0x6;
	v6 =	vadd.s32 v0, v4;
	v7 =	vperm.xlane v17, v3  }
0x15: {  	s8 =	sand.u32 $0x380, s6;
	v4 =	vimm.s32 $0x3  }
0x16: {  	vm0 =	vmmov $0x1;
	s31 =	simm.s32 $0x80;
	s7 =	sadd.s32 s7, s8;
	v8 =	vperm.xlane v17, v4;
	v7 =	vadd.s32 v0, v7  }
0x17: {  	[tilespmem:s31], [sflag:$0x1] =	stream.indirect_vreg.gather [hbm4b:s7+s2], $0x80, v5, vm0, $0xb8;
	v5 =	vimm.s32 $0x4;
	[tilespmem:$0x2210] =	vst v63  }
0x18: {  	s9 =	simm.s32 $0x100;
	v9 =	vadd.s32 v0, v8;
	v49 =	vperm.xlane v17, v5  }
0x19: {  	[tilespmem:s9], [sflag:$0x1] =	stream.indirect_vreg.gather [hbm4b:s7+s2], $0x80, v6, vm0, $0xb8;
	v6 =	vimm.s32 $0x5;
	[tilespmem:$0x2210] =	vst v63  }
0x1a: {  	s10 =	simm.s32 $0x180;
	v10 =	vadd.s32 v0, v49;
	v11 =	vperm.xlane v17, v6  }
0x1b: {  	v8 =	vimm.s32 $0x6;
	[tilespmem:s10], [sflag:$0x1] =	stream.indirect_vreg.gather [hbm4b:s7+s2], $0x80, v7, vm0, $0xb8;
	[tilespmem:$0x2210] =	vst v63  }
0x1c: {  	s11 =	simm.s32 $0x200;
	v12 =	vperm.xlane v17, v8;
	v11 =	vadd.s32 v0, v11  }
0x1d: {  	v7 =	vimm.s32 $0x7;
	[tilespmem:s11], [sflag:$0x1] =	stream.indirect_vreg.gather [hbm4b:s7+s2], $0x80, v9, vm0, $0xb8;
	[tilespmem:$0x2210] =	vst v63  }
0x1e: {  	s12 =	simm.s32 $0x280;
	v12 =	vadd.s32 v0, v12;
	v13 =	vperm.xlane v17, v7  }
0x1f: {  	v9 =	vimm.s32 $0x8;
	[tilespmem:s12], [sflag:$0x1] =	stream.indirect_vreg.gather [hbm4b:s7+s2], $0x80, v10, vm0, $0xb8;
	[tilespmem:$0x2210] =	vst v63  }
0x20: {  	s13 =	simm.s32 $0x300;
	v13 =	vadd.s32 v0, v13;
	v14 =	vperm.xlane v17, v9  }
0x21: {  	v10 =	vimm.s32 $0x9;
	[tilespmem:s13], [sflag:$0x1] =	stream.indirect_vreg.gather [hbm4b:s7+s2], $0x80, v11, vm0, $0xb8;
	[tilespmem:$0x2210] =	vst v63  }
0x22: {  	s14 =	simm.s32 $0x380;
	v14 =	vadd.s32 v0, v14;
	v15 =	vperm.xlane v17, v10  }
0x23: {  	v11 =	vimm.s32 $0xA;
	[tilespmem:s14], [sflag:$0x1] =	stream.indirect_vreg.gather [hbm4b:s7+s2], $0x80, v12, vm0, $0xb8;
	[tilespmem:$0x2210] =	vst v63  }
0x24: {  	s15 =	simm.s32 $0x400;
	v15 =	vadd.s32 v0, v15;
	v16 =	vperm.xlane v17, v11  }
0x25: {  	v12 =	vimm.s32 $0xB;
	[tilespmem:s15], [sflag:$0x1] =	stream.indirect_vreg.gather [hbm4b:s7+s2], $0x80, v13, vm0, $0xb8;
	[tilespmem:$0x2210] =	vst v63  }
0x26: {  	s16 =	simm.s32 $0x480;
	v16 =	vadd.s32 v0, v16;
	v18 =	vperm.xlane v17, v12  }
0x27: {  	v13 =	vimm.s32 $0xC;
	[tilespmem:s16], [sflag:$0x1] =	stream.indirect_vreg.gather [hbm4b:s7+s2], $0x80, v14, vm0, $0xb8;
	[tilespmem:$0x2210] =	vst v63  }
0x28: {  	s17 =	simm.s32 $0x500;
	v18 =	vadd.s32 v0, v18;
	v19 =	vperm.xlane v17, v13  }
0x29: {  	v14 =	vimm.s32 $0xD;
	[tilespmem:s17], [sflag:$0x1] =	stream.indirect_vreg.gather [hbm4b:s7+s2], $0x80, v15, vm0, $0xb8;
	[tilespmem:$0x2210] =	vst v63  }
0x2a: {  	s18 =	simm.s32 $0x580;
	v19 =	vadd.s32 v0, v19;
	v20 =	vperm.xlane v17, v14  }
0x2b: {  	v15 =	vimm.s32 $0xE;
	[tilespmem:s18], [sflag:$0x1] =	stream.indirect_vreg.gather [hbm4b:s7+s2], $0x80, v16, vm0, $0xb8;
	[tilespmem:$0x2210] =	vst v63  }
0x2c: {  	s19 =	simm.s32 $0x600;
	v20 =	vadd.s32 v0, v20;
	v21 =	vperm.xlane v17, v15  }
0x2d: {  	v16 =	vimm.s32 $0xF;
	[tilespmem:s19], [sflag:$0x1] =	stream.indirect_vreg.gather [hbm4b:s7+s2], $0x80, v18, vm0, $0xb8;
	[tilespmem:$0x2210] =	vst v63  }
0x2e: {  	s20 =	simm.s32 $0x680;
	v50 =	vadd.s32 v0, v21;
	v17 =	vperm.xlane v17, v16  }
0x2f: {  	[tilespmem:s20], [sflag:$0x1] =	stream.indirect_vreg.gather [hbm4b:s7+s2], $0x80, v19, vm0, $0xb8;
	[tilespmem:$0x2210] =	vst v63  }
0x30: {  	s21 =	simm.s32 $0x700;
	v17 =	vadd.s32 v0, v17  }
0x31: {  	[tilespmem:s21], [sflag:$0x1] =	stream.indirect_vreg.gather [hbm4b:s7+s2], $0x80, v20, vm0, $0xb8;
	[tilespmem:$0x2210] =	vst v63  }
0x32: {  	s22 =	simm.s32 $0x780  }
0x33: {  	[tilespmem:s22], [sflag:$0x1] =	stream.indirect_vreg.gather [hbm4b:s7+s2], $0x80, v50, vm0, $0xb8;
	[tilespmem:$0x2210] =	vst v63  }
0x34: {  	s23 =	simm.s32 $0x800  }
0x35: {  	[tilespmem:s23], [sflag:$0x1] =	stream.indirect_vreg.gather [hbm4b:s7+s2], $0x80, v17, vm0, $0xb8;
	[tilespmem:$0x2210] =	vst v63  }
0x36: {  	v17 =	vld [tilespmem:$0x10];
	_ =	sdelay $0x4  }
0x37: {  	v51 =	vshll.u32 v17, $0x3  }
0x38: {  	v17 =	vand.u32 $0x7, v17;
	v18 =	vand.u32 $0xFFFFFFC0, v51  }
0x39: {  	v17 =	vor.u32 v17, v18  }
0x3a: {  	v18 =	vperm.xlane v17, v1;
	_ =	sdelay $0x1  }
0x3b: {  	v52 =	vperm.xlane v17, v2;
	v18 =	vadd.s32 v0, v18;
	_ =	sdelay $0x1  }
0x3c: {  	v53 =	vperm.xlane v17, v3;
	v19 =	vadd.s32 v0, v52;
	_ =	sdelay $0x1  }
0x3d: {  	s24 =	simm.s32 $0x880;
	v54 =	vperm.xlane v17, v4;
	v20 =	vadd.s32 v0, v53  }
0x3e: {  	[tilespmem:s24], [sflag:$0x1] =	stream.indirect_vreg.gather [hbm4b:s7+s2], $0x80, v18, vm0, $0xb8;
	[tilespmem:$0x2210] =	vst v63  }
0x3f: {  	s25 =	simm.s32 $0x900;
	v56 =	vperm.xlane v17, v5;
	v55 =	vadd.s32 v0, v54  }
0x40: {  	[tilespmem:s25], [sflag:$0x1] =	stream.indirect_vreg.gather [hbm4b:s7+s2], $0x80, v19, vm0, $0xb8;
	[tilespmem:$0x2210] =	vst v63  }
0x41: {  	s26 =	simm.s32 $0x980;
	v58 =	vperm.xlane v17, v6;
	v57 =	vadd.s32 v0, v56  }
0x42: {  	[tilespmem:s26], [sflag:$0x1] =	stream.indirect_vreg.gather [hbm4b:s7+s2], $0x80, v20, vm0, $0xb8;
	[tilespmem:$0x2210] =	vst v63  }
0x43: {  	s28 =	simm.s32 $0xA00;
	v60 =	vperm.xlane v17, v8;
	v59 =	vadd.s32 v0, v58  }
0x44: {  	[tilespmem:s28], [sflag:$0x1] =	stream.indirect_vreg.gather [hbm4b:s7+s2], $0x80, v55, vm0, $0xb8;
	[tilespmem:$0x2210] =	vst v63  }
0x45: {  	s29 =	simm.s32 $0xA80;
	v62 =	vperm.xlane v17, v7;
	v61 =	vadd.s32 v0, v60  }
0x46: {  	[tilespmem:s29], [sflag:$0x1] =	stream.indirect_vreg.gather [hbm4b:s7+s2], $0x80, v57, vm0, $0xb8;
	[tilespmem:$0x2210] =	vst v63  }
0x47: {  	s30 =	simm.s32 $0xB00;
	v24 =	vperm.xlane v17, v9;
	v63 =	vadd.s32 v0, v62  }
0x48: {  	[tilespmem:s30], [sflag:$0x1] =	stream.indirect_vreg.gather [hbm4b:s7+s2], $0x80, v59, vm0, $0xb8;
	[tilespmem:$0x2210] =	vst v63  }
0x49: {  	s31 =	simm.s32 $0xB80;
	v26 =	vperm.xlane v17, v10;
	v25 =	vadd.s32 v0, v24  }
0x4a: {  	[tilespmem:s31], [sflag:$0x1] =	stream.indirect_vreg.gather [hbm4b:s7+s2], $0x80, v61, vm0, $0xb8;
	[tilespmem:$0x2210] =	vst v63  }
0x4b: {  	s9 =	simm.s32 $0xC00;
	v28 =	vperm.xlane v17, v11;
	v27 =	vadd.s32 v0, v26  }
0x4c: {  	[tilespmem:s9], [sflag:$0x1] =	stream.indirect_vreg.gather [hbm4b:s7+s2], $0x80, v63, vm0, $0xb8;
	[tilespmem:$0x2210] =	vst v63  }
0x4d: {  	s10 =	simm.s32 $0xC80;
	v30 =	vperm.xlane v17, v12;
	v29 =	vadd.s32 v0, v28  }
0x4e: {  	[tilespmem:s10], [sflag:$0x1] =	stream.indirect_vreg.gather [hbm4b:s7+s2], $0x80, v25, vm0, $0xb8;
	[tilespmem:$0x2210] =	vst v63  }
0x4f: {  	s11 =	simm.s32 $0xD00;
	v32 =	vperm.xlane v17, v13;
	v31 =	vadd.s32 v0, v30  }
0x50: {  	[tilespmem:s11], [sflag:$0x1] =	stream.indirect_vreg.gather [hbm4b:s7+s2], $0x80, v27, vm0, $0xb8;
	[tilespmem:$0x2210] =	vst v63  }
0x51: {  	s12 =	simm.s32 $0xD80;
	v34 =	vperm.xlane v17, v14;
	v33 =	vadd.s32 v0, v32  }
0x52: {  	[tilespmem:s12], [sflag:$0x1] =	stream.indirect_vreg.gather [hbm4b:s7+s2], $0x80, v29, vm0, $0xb8;
	[tilespmem:$0x2210] =	vst v63  }
0x53: {  	s13 =	simm.s32 $0xE00;
	v36 =	vperm.xlane v17, v15;
	v35 =	vadd.s32 v0, v34  }
0x54: {  	[tilespmem:s13], [sflag:$0x1] =	stream.indirect_vreg.gather [hbm4b:s7+s2], $0x80, v31, vm0, $0xb8;
	[tilespmem:$0x2210] =	vst v63  }
0x55: {  	s14 =	simm.s32 $0xE80;
	v17 =	vperm.xlane v17, v16;
	v37 =	vadd.s32 v0, v36  }
0x56: {  	[tilespmem:s14], [sflag:$0x1] =	stream.indirect_vreg.gather [hbm4b:s7+s2], $0x80, v33, vm0, $0xb8;
	[tilespmem:$0x2210] =	vst v63  }
0x57: {  	s15 =	simm.s32 $0xF00;
	v17 =	vadd.s32 v0, v17  }
0x58: {  	[tilespmem:s15], [sflag:$0x1] =	stream.indirect_vreg.gather [hbm4b:s7+s2], $0x80, v35, vm0, $0xb8;
	[tilespmem:$0x2210] =	vst v63  }
0x59: {  	s16 =	simm.s32 $0xF80  }
0x5a: {  	[tilespmem:s16], [sflag:$0x1] =	stream.indirect_vreg.gather [hbm4b:s7+s2], $0x80, v37, vm0, $0xb8;
	[tilespmem:$0x2210] =	vst v63  }
0x5b: {  	s17 =	simm.s32 $0x1000  }
0x5c: {  	[tilespmem:s17], [sflag:$0x1] =	stream.indirect_vreg.gather [hbm4b:s7+s2], $0x80, v17, vm0, $0xb8;
	[tilespmem:$0x2210] =	vst v63  }
0x5d: {  	v17 =	vld [tilespmem:$0x20];
	_ =	sdelay $0x4  }
0x5e: {  	v38 =	vshll.u32 v17, $0x3  }
0x5f: {  	v17 =	vand.u32 $0x7, v17;
	v18 =	vand.u32 $0xFFFFFFC0, v38  }
0x60: {  	v17 =	vor.u32 v17, v18  }
0x61: {  	v18 =	vperm.xlane v17, v1;
	_ =	sdelay $0x1  }
0x62: {  	v39 =	vperm.xlane v17, v2;
	v18 =	vadd.s32 v0, v18;
	_ =	sdelay $0x1  }
0x63: {  	v40 =	vperm.xlane v17, v3;
	v19 =	vadd.s32 v0, v39;
	_ =	sdelay $0x1  }
0x64: {  	s18 =	simm.s32 $0x1080;
	v41 =	vperm.xlane v17, v4;
	v20 =	vadd.s32 v0, v40  }
0x65: {  	[tilespmem:s18], [sflag:$0x1] =	stream.indirect_vreg.gather [hbm4b:s7+s2], $0x80, v18, vm0, $0xb8;
	[tilespmem:$0x2210] =	vst v63  }
0x66: {  	s19 =	simm.s32 $0x1100;
	v43 =	vperm.xlane v17, v5;
	v42 =	vadd.s32 v0, v41  }
0x67: {  	[tilespmem:s19], [sflag:$0x1] =	stream.indirect_vreg.gather [hbm4b:s7+s2], $0x80, v19, vm0, $0xb8;
	[tilespmem:$0x2210] =	vst v63  }
0x68: {  	s20 =	simm.s32 $0x1180;
	v45 =	vperm.xlane v17, v6;
	v44 =	vadd.s32 v0, v43  }
0x69: {  	[tilespmem:s20], [sflag:$0x1] =	stream.indirect_vreg.gather [hbm4b:s7+s2], $0x80, v20, vm0, $0xb8;
	[tilespmem:$0x2210] =	vst v63  }
0x6a: {  	s21 =	simm.s32 $0x1200;
	v47 =	vperm.xlane v17, v8;
	v46 =	vadd.s32 v0, v45  }
0x6b: {  	[tilespmem:s21], [sflag:$0x1] =	stream.indirect_vreg.gather [hbm4b:s7+s2], $0x80, v42, vm0, $0xb8;
	[tilespmem:$0x2210] =	vst v63  }
0x6c: {  	s22 =	simm.s32 $0x1280;
	v49 =	vperm.xlane v17, v7;
	v48 =	vadd.s32 v0, v47  }
0x6d: {  	[tilespmem:s22], [sflag:$0x1] =	stream.indirect_vreg.gather [hbm4b:s7+s2], $0x80, v44, vm0, $0xb8;
	[tilespmem:$0x2210] =	vst v63  }
0x6e: {  	s23 =	simm.s32 $0x1300;
	v51 =	vperm.xlane v17, v9;
	v50 =	vadd.s32 v0, v49  }
0x6f: {  	[tilespmem:s23], [sflag:$0x1] =	stream.indirect_vreg.gather [hbm4b:s7+s2], $0x80, v46, vm0, $0xb8;
	[tilespmem:$0x2210] =	vst v63  }
0x70: {  	s24 =	simm.s32 $0x1380;
	v53 =	vperm.xlane v17, v10;
	v52 =	vadd.s32 v0, v51  }
0x71: {  	[tilespmem:s24], [sflag:$0x1] =	stream.indirect_vreg.gather [hbm4b:s7+s2], $0x80, v48, vm0, $0xb8;
	[tilespmem:$0x2210] =	vst v63  }
0x72: {  	s25 =	simm.s32 $0x1400;
	v55 =	vperm.xlane v17, v11;
	v54 =	vadd.s32 v0, v53  }
0x73: {  	[tilespmem:s25], [sflag:$0x1] =	stream.indirect_vreg.gather [hbm4b:s7+s2], $0x80, v50, vm0, $0xb8;
	[tilespmem:$0x2210] =	vst v63  }
0x74: {  	s26 =	simm.s32 $0x1480;
	v57 =	vperm.xlane v17, v12;
	v56 =	vadd.s32 v0, v55  }
0x75: {  	[tilespmem:s26], [sflag:$0x1] =	stream.indirect_vreg.gather [hbm4b:s7+s2], $0x80, v52, vm0, $0xb8;
	[tilespmem:$0x2210] =	vst v63  }
0x76: {  	s28 =	simm.s32 $0x1500;
	v59 =	vperm.xlane v17, v13;
	v58 =	vadd.s32 v0, v57  }
0x77: {  	[tilespmem:s28], [sflag:$0x1] =	stream.indirect_vreg.gather [hbm4b:s7+s2], $0x80, v54, vm0, $0xb8;
	[tilespmem:$0x2210] =	vst v63  }
0x78: {  	s29 =	simm.s32 $0x1580;
	v61 =	vperm.xlane v17, v14;
	v60 =	vadd.s32 v0, v59  }
0x79: {  	[tilespmem:s29], [sflag:$0x1] =	stream.indirect_vreg.gather [hbm4b:s7+s2], $0x80, v56, vm0, $0xb8;
	[tilespmem:$0x2210] =	vst v63  }
0x7a: {  	s30 =	simm.s32 $0x1600;
	v63 =	vperm.xlane v17, v15;
	v62 =	vadd.s32 v0, v61  }
0x7b: {  	[tilespmem:s30], [sflag:$0x1] =	stream.indirect_vreg.gather [hbm4b:s7+s2], $0x80, v58, vm0, $0xb8;
	[tilespmem:$0x2210] =	vst v63  }
0x7c: {  	s31 =	simm.s32 $0x1680;
	v17 =	vperm.xlane v17, v16;
	v24 =	vadd.s32 v0, v63  }
0x7d: {  	[tilespmem:s31], [sflag:$0x1] =	stream.indirect_vreg.gather [hbm4b:s7+s2], $0x80, v60, vm0, $0xb8;
	[tilespmem:$0x2210] =	vst v63  }
0x7e: {  	s9 =	simm.s32 $0x1700;
	v17 =	vadd.s32 v0, v17  }
0x7f: {  	[tilespmem:s9], [sflag:$0x1] =	stream.indirect_vreg.gather [hbm4b:s7+s2], $0x80, v62, vm0, $0xb8;
	[tilespmem:$0x2210] =	vst v63  }
0x80: {  	s10 =	simm.s32 $0x1780  }
0x81: {  	[tilespmem:s10], [sflag:$0x1] =	stream.indirect_vreg.gather [hbm4b:s7+s2], $0x80, v24, vm0, $0xb8;
	[tilespmem:$0x2210] =	vst v63  }
0x82: {  	s11 =	simm.s32 $0x1800  }
0x83: {  	[tilespmem:s11], [sflag:$0x1] =	stream.indirect_vreg.gather [hbm4b:s7+s2], $0x80, v17, vm0, $0xb8;
	[tilespmem:$0x2210] =	vst v63  }
0x84: {  	v17 =	vld [tilespmem:$0x30];
	_ =	sdelay $0x4  }
0x85: {  	v25 =	vshll.u32 v17, $0x3  }
0x86: {  	v17 =	vand.u32 $0x7, v17;
	v18 =	vand.u32 $0xFFFFFFC0, v25  }
0x87: {  	v17 =	vor.u32 v17, v18  }
0x88: {  	v1 =	vperm.xlane v17, v1;
	_ =	sdelay $0x1  }
0x89: {  	v2 =	vperm.xlane v17, v2;
	v1 =	vadd.s32 v0, v1;
	_ =	sdelay $0x1  }
0x8a: {  	v3 =	vperm.xlane v17, v3;
	v2 =	vadd.s32 v0, v2;
	_ =	sdelay $0x1  }
0x8b: {  	s12 =	simm.s32 $0x1880;
	v4 =	vperm.xlane v17, v4;
	v3 =	vadd.s32 v0, v3  }
0x8c: {  	[tilespmem:s12], [sflag:$0x1] =	stream.indirect_vreg.gather [hbm4b:s7+s2], $0x80, v1, vm0, $0xb8;
	[tilespmem:$0x2210] =	vst v63  }
0x8d: {  	s13 =	simm.s32 $0x1900;
	v27 =	vperm.xlane v17, v5;
	v26 =	vadd.s32 v0, v4  }
0x8e: {  	[tilespmem:s13], [sflag:$0x1] =	stream.indirect_vreg.gather [hbm4b:s7+s2], $0x80, v2, vm0, $0xb8;
	[tilespmem:$0x2210] =	vst v63  }
0x8f: {  	s14 =	simm.s32 $0x1980;
	v29 =	vperm.xlane v17, v6;
	v28 =	vadd.s32 v0, v27  }
0x90: {  	[tilespmem:s14], [sflag:$0x1] =	stream.indirect_vreg.gather [hbm4b:s7+s2], $0x80, v3, vm0, $0xb8;
	[tilespmem:$0x2210] =	vst v63  }
0x91: {  	s15 =	simm.s32 $0x1A00;
	v31 =	vperm.xlane v17, v8;
	v30 =	vadd.s32 v0, v29  }
0x92: {  	[tilespmem:s15], [sflag:$0x1] =	stream.indirect_vreg.gather [hbm4b:s7+s2], $0x80, v26, vm0, $0xb8;
	[tilespmem:$0x2210] =	vst v63  }
0x93: {  	s16 =	simm.s32 $0x1A80;
	v33 =	vperm.xlane v17, v7;
	v32 =	vadd.s32 v0, v31  }
0x94: {  	[tilespmem:s16], [sflag:$0x1] =	stream.indirect_vreg.gather [hbm4b:s7+s2], $0x80, v28, vm0, $0xb8;
	[tilespmem:$0x2210] =	vst v63  }
0x95: {  	s17 =	simm.s32 $0x1B00;
	v35 =	vperm.xlane v17, v9;
	v34 =	vadd.s32 v0, v33  }
0x96: {  	[tilespmem:s17], [sflag:$0x1] =	stream.indirect_vreg.gather [hbm4b:s7+s2], $0x80, v30, vm0, $0xb8;
	[tilespmem:$0x2210] =	vst v63  }
0x97: {  	s18 =	simm.s32 $0x1B80;
	v37 =	vperm.xlane v17, v10;
	v36 =	vadd.s32 v0, v35  }
0x98: {  	[tilespmem:s18], [sflag:$0x1] =	stream.indirect_vreg.gather [hbm4b:s7+s2], $0x80, v32, vm0, $0xb8;
	[tilespmem:$0x2210] =	vst v63  }
0x99: {  	s19 =	simm.s32 $0x1C00;
	v39 =	vperm.xlane v17, v11;
	v38 =	vadd.s32 v0, v37  }
0x9a: {  	[tilespmem:s19], [sflag:$0x1] =	stream.indirect_vreg.gather [hbm4b:s7+s2], $0x80, v34, vm0, $0xb8;
	[tilespmem:$0x2210] =	vst v63  }
0x9b: {  	s20 =	simm.s32 $0x1C80;
	v41 =	vperm.xlane v17, v12;
	v40 =	vadd.s32 v0, v39  }
0x9c: {  	[tilespmem:s20], [sflag:$0x1] =	stream.indirect_vreg.gather [hbm4b:s7+s2], $0x80, v36, vm0, $0xb8;
	[tilespmem:$0x2210] =	vst v63  }
0x9d: {  	s21 =	simm.s32 $0x1D00;
	v43 =	vperm.xlane v17, v13;
	v42 =	vadd.s32 v0, v41  }
0x9e: {  	[tilespmem:s21], [sflag:$0x1] =	stream.indirect_vreg.gather [hbm4b:s7+s2], $0x80, v38, vm0, $0xb8;
	[tilespmem:$0x2210] =	vst v63  }
0x9f: {  	s22 =	simm.s32 $0x1D80;
	v45 =	vperm.xlane v17, v14;
	v44 =	vadd.s32 v0, v43  }
0xa0: {  	[tilespmem:s22], [sflag:$0x1] =	stream.indirect_vreg.gather [hbm4b:s7+s2], $0x80, v40, vm0, $0xb8;
	[tilespmem:$0x2210] =	vst v63  }
0xa1: {  	s23 =	simm.s32 $0x1E00;
	v47 =	vperm.xlane v17, v15;
	v46 =	vadd.s32 v0, v45  }
0xa2: {  	[tilespmem:s23], [sflag:$0x1] =	stream.indirect_vreg.gather [hbm4b:s7+s2], $0x80, v42, vm0, $0xb8;
	[tilespmem:$0x2210] =	vst v63  }
0xa3: {  	s24 =	simm.s32 $0x1E80;
	v49 =	vperm.xlane v17, v16;
	v48 =	vadd.s32 v0, v47  }
0xa4: {  	[tilespmem:s24], [sflag:$0x1] =	stream.indirect_vreg.gather [hbm4b:s7+s2], $0x80, v44, vm0, $0xb8;
	[tilespmem:$0x2210] =	vst v63  }
0xa5: {  	s25 =	simm.s32 $0x1F00;
	v0 =	vadd.s32 v0, v49  }
0xa6: {  	[tilespmem:s25], [sflag:$0x1] =	stream.indirect_vreg.gather [hbm4b:s7+s2], $0x80, v46, vm0, $0xb8;
	[tilespmem:$0x2210] =	vst v63  }
0xa7: {  	s26 =	simm.s32 $0x1F80  }
0xa8: {  	[tilespmem:s26], [sflag:$0x1] =	stream.indirect_vreg.gather [hbm4b:s7+s2], $0x80, v48, vm0, $0xb8;
	[tilespmem:$0x2210] =	vst v63  }
0xa9: {  	s28 =	simm.s32 $0x2000;
	s29 =	simm.s32 $0x1  }
0xaa: {  	[tilespmem:s28], [sflag:$0x1] =	stream.indirect_vreg.gather [hbm4b:s7+s2], $0x80, v0, vm0, $0xb8;
	[tilespmem:$0x2210] =	vst v63  }
0xab: {  	_ =	swait.ge [sflag:s29], $0x2000  }
0xac: {  	[sflag:s29] =	ssyncset.done $0x0  }
0xad: {  	s30 =	sand.u32 $0x40, s6;
	[sflag:s29] =	ssyncadd.s32 $0xFFFFE000  }
0xae: {  	v50 =	vld [tilespmem:s30+$0x80]  }
0xaf: {  	v51 =	vld [tilespmem:s30+$0x100]  }
0xb0: {  	v52 =	vld [tilespmem:s30+$0x180]  }
0xb1: {  	v53 =	vld [tilespmem:s30+$0x200]  }
0xb2: {  	v54 =	vld [tilespmem:s30+$0x280]  }
0xb3: {  	v55 =	vld [tilespmem:s30+$0x300]  }
0xb4: {  	v56 =	vld [tilespmem:s30+$0x380]  }
0xb5: {  	v57 =	vld [tilespmem:s30+$0x400]  }
0xb6: {  	v58 =	vld [tilespmem:s30+$0x480]  }
0xb7: {  	v59 =	vld [tilespmem:s30+$0x500]  }
0xb8: {  	v60 =	vld [tilespmem:s30+$0x580]  }
0xb9: {  	v61 =	vld [tilespmem:s30+$0x600]  }
0xba: {  	v62 =	vld [tilespmem:s30+$0x680]  }
0xbb: {  	v63 =	vld [tilespmem:s30+$0x700]  }
0xbc: {  	v36 =	vld [tilespmem:s30+$0x780]  }
0xbd: {  	v37 =	vld [tilespmem:s30+$0x800]  }
0xbe: {  	v38 =	vld [tilespmem:s30+$0x890]  }
0xbf: {  	v39 =	vld [tilespmem:s30+$0x910]  }
0xc0: {  	v40 =	vld [tilespmem:s30+$0x990]  }
0xc1: {  	v41 =	vld [tilespmem:s30+$0xA10]  }
0xc2: {  	v42 =	vld [tilespmem:s30+$0xA90]  }
0xc3: {  	v43 =	vld [tilespmem:s30+$0xB10]  }
0xc4: {  	v22 =	vld [tilespmem:s30+$0xB90]  }
0xc5: {  	v23 =	vld [tilespmem:s30+$0xC10]  }
0xc6: {  	v24 =	vld [tilespmem:s30+$0xC90]  }
0xc7: {  	v25 =	vld [tilespmem:s30+$0xD10]  }
0xc8: {  	v26 =	vld [tilespmem:s30+$0xD90]  }
0xc9: {  	v27 =	vld [tilespmem:s30+$0xE10]  }
0xca: {  	v28 =	vld [tilespmem:s30+$0xE90]  }
0xcb: {  	v29 =	vld [tilespmem:s30+$0xF10]  }
0xcc: {  	v30 =	vld [tilespmem:s30+$0xF90]  }
0xcd: {  	v31 =	vld [tilespmem:s30+$0x1010]  }
0xce: {  	v32 =	vld [tilespmem:s30+$0x10A0]  }
0xcf: {  	v33 =	vld [tilespmem:s30+$0x1120]  }
0xd0: {  	v34 =	vld [tilespmem:s30+$0x11A0]  }
0xd1: {  	v35 =	vld [tilespmem:s30+$0x1220]  }
0xd2: {  	v44 =	vld [tilespmem:s30+$0x12A0]  }
0xd3: {  	v45 =	vld [tilespmem:s30+$0x1320]  }
0xd4: {  	v46 =	vld [tilespmem:s30+$0x13A0]  }
0xd5: {  	v47 =	vld [tilespmem:s30+$0x1420]  }
0xd6: {  	vm14 =	vmmov $0x3;
	vm13 =	vmmov $0x7;
	vm11 =	vmmov $0xf;
	v48 =	vld [tilespmem:s30+$0x14A0]  }
0xd7: {  	vm12 =	vmmov $0x1f;
	vm9 =	vmmov $0x3f;
	v49 =	vld [tilespmem:s30+$0x1520];
	v0 =	vsel vm0, v50, v51  }
0xd8: {  	vm10 =	vmmov $0x7f;
	vm8 =	vmmov $0xff;
	v18 =	vld [tilespmem:s30+$0x1720];
	v0 =	vsel vm14, v0, v52  }
0xd9: {  	vm3 =	vmmov $0x1ff;
	vm4 =	vmmov $0x3ff;
	v19 =	vld [tilespmem:s30+$0x17A0];
	v0 =	vsel vm13, v0, v53  }
0xda: {  	vm1 =	vmmov $0x7ff;
	v53 =	vld [tilespmem:s30+$0x18B0];
	v0 =	vsel vm11, v0, v54;
	v54 =	vsel vm0, v38, v39  }
0xdb: {  	vm2 =	vmmov $0xfff;
	v0 =	vsel vm12, v0, v55;
	v55 =	vld [tilespmem:s30+$0x1930];
	v11 =	vsel vm14, v54, v40  }
0xdc: {  	vm5 =	vmmov $0x1fff;
	v0 =	vsel vm9, v0, v56;
	v56 =	vld [tilespmem:s30+$0x19B0];
	v11 =	vsel vm13, v11, v41  }
0xdd: {  	vm6 =	vmmov $0x3fff;
	v20 =	vld [tilespmem:s30+$0x1CB0];
	v0 =	vsel vm10, v0, v57;
	v11 =	vsel vm11, v11, v42  }
0xde: {  	vm7 =	vmmov $0x7fff;
	v57 =	vld [tilespmem:s30+$0x1A30];
	v0 =	vsel vm8, v0, v58;
	v11 =	vsel vm12, v11, v43  }
0xdf: {  	v58 =	vld [tilespmem:s30+$0x1AB0];
	v0 =	vsel vm3, v0, v59;
	v59 =	vsel vm0, v32, v33;
	v11 =	vsel vm9, v11, v22  }
0xe0: {  	v21 =	vld [tilespmem:s30+$0x1820];
	v0 =	vsel vm4, v0, v60;
	v10 =	vsel vm0, v53, v55;
	v15 =	vsel vm14, v59, v34  }
0xe1: {  	v60 =	vld [tilespmem:s30+$0x1B30];
	v11 =	vsel vm10, v11, v23;
	v0 =	vsel vm1, v0, v61;
	v10 =	vsel vm14, v10, v56  }
0xe2: {  	v50 =	vld [tilespmem:s30+$0x15A0];
	v11 =	vsel vm8, v11, v24;
	v0 =	vsel vm2, v0, v62;
	v62 =	vsel vm13, v15, v35  }
0xe3: {  	v61 =	vld [tilespmem:s30+$0x1BB0];
	v10 =	vsel vm13, v10, v57;
	v11 =	vsel vm3, v11, v25;
	v0 =	vsel vm5, v0, v63  }
0xe4: {  	v51 =	vld [tilespmem:s30+$0x1620];
	v1 =	vsel vm11, v62, v44;
	v10 =	vsel vm11, v10, v58;
	v11 =	vsel vm4, v11, v26  }
0xe5: {  	v63 =	vld [tilespmem:s30+$0x1C30];
	v0 =	vsel vm6, v0, v36;
	v1 =	vsel vm12, v1, v45;
	v11 =	vsel vm1, v11, v27  }
0xe6: {  	v52 =	vld [tilespmem:s30+$0x16A0];
	v0 =	vsel vm7, v0, v37;
	v10 =	vsel vm12, v10, v60;
	v1 =	vsel vm9, v1, v46  }
0xe7: {  	v23 =	vld [tilespmem:s30+$0x1D30];
	v11 =	vsel vm2, v11, v28;
	v0 =	vadd.f32 $1.000000010e-07, v0;
	v1 =	vsel vm10, v1, v47  }
0xe8: {  	v24 =	vld [tilespmem:s30+$0x1DB0];
	v10 =	vsel vm9, v10, v61;
	v11 =	vsel vm5, v11, v29;
	v1 =	vsel vm8, v1, v48  }
0xe9: {  	v26 =	vld [tilespmem:s30+$0x1E30];
	v27 =	vsel vm6, v11, v30;
	v22 =	vand.u32 $0x7FFFFF, v0;
	v1 =	vsel vm3, v1, v49  }
0xea: {  	v28 =	vld [tilespmem:s30+$0x1EB0];
	v10 =	vsel vm10, v10, v63;
	v13 =	vor.u32 $0x3F800000, v22;
	v1 =	vsel vm4, v1, v50  }
0xeb: {  	v29 =	vld [tilespmem:s30+$0x1F30];
	v3 =	vsel vm8, v10, v20;
	v25 =	vadd.f32 $1.000000000e+00, v13;
	v1 =	vsel vm1, v1, v51  }
0xec: {  	v10 =	vsel vm7, v27, v31;
	v31 =	vld [tilespmem:s30+$0x1FB0];
	v3 =	vsel vm3, v3, v23;
	v1 =	vsel vm2, v1, v52  }
0xed: {  	v32 =	vld [tilespmem:s30+$0x2030];
	v3 =	vsel vm4, v3, v24;
	(erf) = vrcp.f32 v25;
	v1 =	vsel vm5, v1, v18  }
0xee: {  	v30 =	vadd.f32 $1.000000010e-07, v10;
	v34 =	vsel vm1, v3, v26;
	v1 =	vsel vm6, v1, v19  }
0xef: {  	v2 =	vsel vm2, v34, v28;
	v1 =	vsel vm7, v1, v21  }
0xf0: {  	v33 =	vand.u32 $0x7FFFFF, v30;
	v2 =	vsel vm5, v2, v29;
	v1 =	vadd.f32 $1.000000010e-07, v1  }
0xf1: {  	v35 =	vor.u32 $0x3F800000, v33;
	v2 =	vsel vm6, v2, v31  }
0xf2: {  	v36 =	vadd.f32 $1.000000000e+00, v35;
	v2 =	vsel vm7, v2, v32;
	v37 =	vand.u32 $0x7FFFFF, v1  }
0xf3: {  	v2 =	vadd.f32 $1.000000010e-07, v2;
	v4 =	vor.u32 $0x3F800000, v37  }
0xf4: {  	(erf) = vrcp.f32 v36;
	v40 =	vadd.f32 $1.000000000e+00, v4  }
0xf5: {  	v38 =	vadd.f32 $-1.000000000e+00, v13;
	v41 =	vand.u32 $0x7FFFFF, v2  }
0xf6: {  	v6 =	vor.u32 $0x3F800000, v41;
	v39 =	vpop (erf);
	(erf) = vrcp.f32 v40  }
0xf7: {  	v43 =	vadd.f32 $1.000000000e+00, v6;
	v5 =	vmul.f32 v39, v38;
	_ =	sdelay $0x1  }
0xf8: {  	(erf) = vrcp.f32 v43;
	v42 =	vmul.f32 v5, v5;
	_ =	sdelay $0x1  }
0xf9: {  	v44 =	vmul.f32 $1.111111120e-01, v42  }
0xfa: {  	v3 =	vadd.f32 $-1.000000000e+00, v35  }
0xfb: {  	v45 =	vpop (erf);
	v10 =	vadd.f32 $1.428571490e-01, v44  }
0xfc: {  	v4 =	vadd.f32 $-1.000000000e+00, v4;
	v3 =	vmul.f32 v45, v3  }
0xfd: {  	v46 =	vmul.f32 v10, v42;
	v48 =	vpop (erf)  }
0xfe: {  	v47 =	vmul.f32 v3, v3;
	v4 =	vmul.f32 v48, v4  }
0xff: {  	v6 =	vadd.f32 $-1.000000000e+00, v6;
	v8 =	vadd.f32 $2.000000030e-01, v46  }
0x100: {  	v49 =	vmul.f32 $1.111111120e-01, v47;
	v52 =	vpop (erf);
	v51 =	vmul.f32 v4, v4  }
0x101: {  	v0 =	vshra.s32 v0, $0x17;
	v6 =	vmul.f32 v52, v6;
	v8 =	vmul.f32 v8, v42  }
0x102: {  	v0 =	vadd.s32 $0xFFFFFF81, v0;
	v50 =	vadd.f32 $1.428571490e-01, v49  }
0x103: {  	v53 =	vmul.f32 $1.111111120e-01, v51;
	v54 =	vmul.f32 v6, v6;
	v8 =	vadd.f32 $3.333333430e-01, v8  }
0x104: {  	v0 =	vcvt.s32.f32 v0;
	v11 =	vmul.f32 v50, v47  }
0x105: {  	v13 =	vadd.f32 $1.428571490e-01, v53;
	v55 =	vmul.f32 $1.111111120e-01, v54;
	v7 =	vmul.f32 v8, v42  }
0x106: {  	v9 =	vshra.s32 v30, $0x17;
	v5 =	vadd.f32 v5, v5;
	v11 =	vadd.f32 $2.000000030e-01, v11  }
0x107: {  	v13 =	vmul.f32 v13, v51;
	v56 =	vadd.f32 $1.428571490e-01, v55;
	v7 =	vadd.f32 $1.000000000e+00, v7  }
0x108: {  	v9 =	vadd.s32 $0xFFFFFF81, v9;
	v1 =	vshra.s32 v1, $0x17;
	v11 =	vmul.f32 v11, v47  }
0x109: {  	v13 =	vadd.f32 $2.000000030e-01, v13;
	v5 =	vmul.f32 v7, v5;
	v7 =	vmul.f32 v56, v54  }
0x10a: {  	v0 =	vmul.f32 $6.931471820e-01, v0;
	v9 =	vcvt.s32.f32 v9;
	v1 =	vadd.s32 $0xFFFFFF81, v1  }
0x10b: {  	v11 =	vadd.f32 $3.333333430e-01, v11;
	v58 =	vmul.f32 v13, v51;
	v7 =	vadd.f32 $2.000000030e-01, v7  }
0x10c: {  	v9 =	vmul.f32 $6.931471820e-01, v9;
	v1 =	vcvt.s32.f32 v1  }
0x10d: {  	v57 =	vmul.f32 v11, v47;
	v10 =	vadd.f32 $3.333333430e-01, v58;
	v7 =	vmul.f32 v7, v54  }
0x10e: {  	v2 =	vshra.s32 v2, $0x17;
	v3 =	vadd.f32 v3, v3;
	v0 =	vadd.f32 v5, v0  }
0x10f: {  	v5 =	vadd.f32 $1.000000000e+00, v57;
	v59 =	vmul.f32 v10, v51;
	v7 =	vadd.f32 $3.333333430e-01, v7  }
0x110: {  	v2 =	vadd.s32 $0xFFFFFF81, v2;
	v1 =	vmul.f32 $6.931471820e-01, v1;
	v4 =	vadd.f32 v4, v4  }
0x111: {  	v3 =	vmul.f32 v5, v3;
	v5 =	vadd.f32 $1.000000000e+00, v59;
	v7 =	vmul.f32 v7, v54  }
0x112: {  	v2 =	vcvt.s32.f32 v2;
	v60 =	vadd.f32 v6, v6;
	v0 =	vadd.f32 $0.0e+00, v0  }
0x113: {  	v3 =	vadd.f32 v3, v9;
	v4 =	vmul.f32 v5, v4;
	v61 =	vadd.f32 $1.000000000e+00, v7  }
0x114: {  	v2 =	vmul.f32 $6.931471820e-01, v2  }
0x115: {  	v0 =	vadd.f32 v3, v0;
	v1 =	vadd.f32 v4, v1;
	v62 =	vmul.f32 v61, v60;
	_ =	sdelay $0x1  }
0x116: {  	v0 =	vadd.f32 v1, v0;
	v63 =	vadd.f32 v62, v2;
	_ =	sdelay $0x1  }
0x117: {  	v0 =	vadd.f32 v63, v0  }
0x118: {  	s6 =	sshrl.u32 s6, $0x2  }
0x119: {  	s31 =	sadd.s32 s6, s4;
	s6 =	simm.s32 $0x2080;
	[tilespmem:$0x2080] =	vst v0  }
0x11a: {  	[spmem:s31] =	stream.linear.scatter [tilespmem:s6], [sflag:$0x2], $0x10, $0x38;
	[tilespmem:$0x2210] =	vst v63  }
0x11b: {  	_ =	swait.ge [sflag:s3], $0x10  }
0x11c: {  	[sflag:s3] =	ssyncset.done $0x0  }
0x11d: {  	[sflag:s3] =	ssyncadd.s32 $0xFFFFFFF0  }
0x11e: {  	p0 =	sne.s32 s5, $0x0;
	[bflag:$0x0] =	sbarrier.arrive $0xFFFF  }
0x11f: {  	_ =	sfence.sel @p0 $0x180000  }
0x120: {  	[bflag:$0x0] =	sbarrier.arrive @p0 $0xFFFF  }
0x121: {  	_ =	strace @p0 $0x90000047  }
0x122: {  	[bflag:$0x2] =	sbarrier.arrive @p0 $0xFFFF  }
0x123: {  	_ =	shalt @p0  }
.LBB2_1:
0x124: {  	s5 =	simm.s32 $0x2100  }
0x125: {  	[tilespmem:s5], [sflag:$0x2] =	stream.linear.gather [spmem:s4], $0x100, $0x38;
	[tilespmem:$0x2210] =	vst v63  }
0x126: {  	_ =	swait.ge [sflag:s3], $0x100  }
0x127: {  	[sflag:s3] =	ssyncset.done $0x0  }
0x128: {  	[sflag:s3] =	ssyncadd.s32 $0xFFFFFF00  }
0x129: {  	v0 =	vld [tilespmem:$0x2100];
	_ =	sdelay $0x1  }
0x12a: {  	v1 =	vld [tilespmem:$0x2110];
	_ =	sdelay $0x1  }
0x12b: {  	v2 =	vld [tilespmem:$0x2120]  }
0x12c: {  	v0 =	vadd.f32 $0.0e+00, v0  }
0x12d: {  	v3 =	vld [tilespmem:$0x2130]  }
0x12e: {  	v0 =	vadd.f32 v1, v0  }
0x12f: {  	v51 =	vld [tilespmem:$0x2140]  }
0x130: {  	v0 =	vadd.f32 v2, v0  }
0x131: {  	v52 =	vld [tilespmem:$0x2150]  }
0x132: {  	v0 =	vadd.f32 v3, v0  }
0x133: {  	v53 =	vld [tilespmem:$0x2160]  }
0x134: {  	v0 =	vadd.f32 v51, v0  }
0x135: {  	v54 =	vld [tilespmem:$0x2170]  }
0x136: {  	v0 =	vadd.f32 v52, v0  }
0x137: {  	v55 =	vld [tilespmem:$0x2180]  }
0x138: {  	v0 =	vadd.f32 v53, v0  }
0x139: {  	v56 =	vld [tilespmem:$0x2190]  }
0x13a: {  	v0 =	vadd.f32 v54, v0  }
0x13b: {  	v57 =	vld [tilespmem:$0x21A0]  }
0x13c: {  	v0 =	vadd.f32 v55, v0  }
0x13d: {  	v58 =	vld [tilespmem:$0x21B0]  }
0x13e: {  	v0 =	vadd.f32 v56, v0  }
0x13f: {  	v59 =	vld [tilespmem:$0x21C0]  }
0x140: {  	v0 =	vadd.f32 v57, v0  }
0x141: {  	v60 =	vld [tilespmem:$0x21D0]  }
0x142: {  	v0 =	vadd.f32 v58, v0  }
0x143: {  	v61 =	vld [tilespmem:$0x21E0]  }
0x144: {  	v0 =	vadd.f32 v59, v0  }
0x145: {  	v62 =	vld [tilespmem:$0x21F0]  }
0x146: {  	v0 =	vadd.f32 v60, v0;
	_ =	sdelay $0x1  }
0x147: {  	v0 =	vadd.f32 v61, v0;
	_ =	sdelay $0x1  }
0x148: {  	v0 =	vadd.f32 v62, v0;
	_ =	sdelay $0x1  }
0x149: {  	(v2sf) =	vpush v0, $0x0  }
0x14a: {  	(v2sf) =	vpush v0, $0x1;
	_ =	sdelay $0x1  }
0x14b: {  	(v2sf) =	vpush v0, $0x2;
	_ =	sdelay $0x1  }
0x14c: {  	(v2sf) =	vpush v0, $0x3;
	_ =	sdelay $0x1  }
0x14d: {  	(v2sf) =	vpush v0, $0x4;
	_ =	sdelay $0x1  }
0x14e: {  	(v2sf) =	vpush v0, $0x5;
	_ =	sdelay $0x1  }
0x14f: {  	(v2sf) =	vpush v0, $0x6;
	_ =	sdelay $0x1  }
0x150: {  	(v2sf) =	vpush v0, $0x7;
	_ =	sdelay $0x1  }
0x151: {  	s15 =	spop (v2sf);
	(v2sf) =	vpush v0, $0x8  }
0x152: {  	s16 =	spop (v2sf)  }
0x153: {  	(v2sf) =	vpush v0, $0x9;
	s4 =	sadd.f32 s16, s15  }
0x154: {  	s17 =	spop (v2sf)  }
0x155: {  	(v2sf) =	vpush v0, $0xA;
	s4 =	sadd.f32 s4, s17  }
0x156: {  	s18 =	spop (v2sf)  }
0x157: {  	(v2sf) =	vpush v0, $0xB;
	s4 =	sadd.f32 s4, s18  }
0x158: {  	s19 =	spop (v2sf)  }
0x159: {  	(v2sf) =	vpush v0, $0xC;
	s4 =	sadd.f32 s4, s19  }
0x15a: {  	s20 =	spop (v2sf)  }
0x15b: {  	(v2sf) =	vpush v0, $0xD;
	s4 =	sadd.f32 s4, s20  }
0x15c: {  	s21 =	spop (v2sf)  }
0x15d: {  	(v2sf) =	vpush v0, $0xE;
	s4 =	sadd.f32 s4, s21  }
0x15e: {  	s22 =	spop (v2sf)  }
0x15f: {  	(v2sf) =	vpush v0, $0xF;
	s4 =	sadd.f32 s4, s22  }
0x160: {  	s23 =	spop (v2sf)  }
0x161: {  	s4 =	sadd.f32 s4, s23  }
0x162: {  	s24 =	spop (v2sf)  }
0x163: {  	s4 =	sadd.f32 s4, s24  }
0x164: {  	s25 =	spop (v2sf)  }
0x165: {  	s4 =	sadd.f32 s4, s25  }
0x166: {  	s26 =	spop (v2sf)  }
0x167: {  	s4 =	sadd.f32 s4, s26  }
0x168: {  	s28 =	spop (v2sf)  }
0x169: {  	s4 =	sadd.f32 s4, s28  }
0x16a: {  	s29 =	spop (v2sf)  }
0x16b: {  	s4 =	sadd.f32 s4, s29  }
0x16c: {  	s30 =	spop (v2sf)  }
0x16d: {  	s4 =	sadd.f32 s4, s30  }
0x16e: {  	s31 =	spop (v2sf)  }
0x16f: {  	s4 =	sadd.f32 s4, s31;
	_ =	sdelay $0x1  }
0x170: {  	v63 =	vmov s4  }
0x171: {  	v0 =	vmul.f32 $-9.765625000e-04, v63;
	_ =	sdelay $0x1  }
0x172: {  	v0 =	vbroadcast v0, $0x0;
	_ =	sdelay $0x1  }
0x173: {  	[tilespmem:$0x2080] =	vst v0  }
0x174: {  	[hbm4b:s1+s2] =	stream.linear.scatter [tilespmem:s6], [sflag:$0x2], $0x80, $0x38;
	[tilespmem:$0x2210] =	vst v63  }
0x175: {  	_ =	swait.ge [sflag:s3], $0x80  }
0x176: {  	[sflag:s3] =	ssyncset.done $0x0  }
0x177: {  	[sflag:s3] =	ssyncadd.s32 $0xFFFFFF80  }
0x178: {  	_ =	sfence.sel $0x180000  }
0x179: {  	[bflag:$0x0] =	sbarrier.arrive $0xFFFF  }
0x17a: {  	_ =	strace $0x90000047  }
0x17b: {  	s0 =	sadd.s32 $0x100000, s0;
	[bflag:$0x2] =	sbarrier.arrive $0xFFFF  }
0x17c: {  	[sflag:s0] =	ssyncadd.tile.s32 $0x1;
	_ =	shalt  }
.Lfunc_end2:
_tile_overlayer_lowered:
.L_overlay_start_2:
0x17d: {  	(tag) =	ssettag $0x2  }
0x17e: {  	s0 =	rddreg [dreg:$0x0];
	s2 =	stileid.u32  }
0x17f: {  	s1 =	rddreg [dreg:$0x1];
	p0 =	sne.s32 s2, $0x0  }
0x180: {  	s3 =	rddreg [dreg:$0x2];
	[bflag:$0x3] =	sbarrier.arrive $0xFFFF;
	s2 =	simm.s32 @!p0 $0x1C02  }
0x181: {  	[timem:s3], [sflag:s2] =	dma.local @!p0 [hbm:s0], s1  }
0x182: {  	s0 =	simm.s32 @!p0 $0x2  }
0x183: {  	_ =	swait.ge @!p0 [sflag:s0], s1  }
0x184: {  	s1 =	ssub.s32 @!p0 $0x0, s1;
	[sflag:s0] =	ssyncset.done @!p0 $0x0  }
0x185: {  	[sflag:s0] =	ssyncadd.s32 @!p0 s1  }
0x186: {  	[bflag:$0x3] =	sbarrier.arrive $0xFFFF  }
0x187: {  	_ =	shalt  }

</sc_bundles>
